<compile_context>
chip_gen: v7x
topology: tpu7x:2x2x1
jax: 0.10.2.dev20260603
libtpu: 0.0.44.dev20260713+nightly
codegen_flags: <defaults>
</compile_context>

<pallas_src>
import math

import jax
import jax.numpy as jnp
from jax import lax
from jax.experimental import pallas as pl
from jax.experimental.pallas import tpu as pltpu
from jax.experimental.pallas import tpu_sc as plsc

D = 64
DP = 128
SCALE = math.sqrt(D)

NC, NS = 2, 16
NW = NC * NS
BLK = 128
CHUNK = BLK
NBUF = 4


def _make_kernel(n_total):
    per_w = n_total // NW
    n_chunks = per_w // CHUNK
    n_idx_rows = per_w // BLK
    mesh = plsc.VectorSubcoreMesh(core_axis_name="c", subcore_axis_name="s")

    def body(table_hbm, idx_hbm, out_hbm, idx_all, *bufs_and_sems):
        rows = list(bufs_and_sems[:NBUF])
        gsem = list(bufs_and_sems[NBUF:2 * NBUF])
        osem = list(bufs_and_sems[2 * NBUF:3 * NBUF])
        c = lax.axis_index("c")
        s = lax.axis_index("s")
        wid = s * NC + c
        base = wid * per_w

        pltpu.sync_copy(idx_hbm.at[pl.ds(wid * n_idx_rows, n_idx_rows)], idx_all)

        def fire(g, b):
            pltpu.async_copy(
                table_hbm.at[idx_all.at[g]], rows[b], gsem[b]
            )

        def drain_gather(b):
            pltpu.make_async_copy(
                table_hbm.at[pl.ds(0, CHUNK)], rows[b], gsem[b]
            ).wait()

        def drain_out(b):
            pltpu.make_async_copy(
                table_hbm.at[pl.ds(0, CHUNK)], rows[b], osem[b]
            ).wait()

        def scale(b):
            rb = rows[b]

            @plsc.parallel_loop(0, CHUNK, step=1, unroll=8)
            def _(r):
                for j in range(D // 16):
                    rb[r, pl.ds(j * 16, 16)] = rb[r, pl.ds(j * 16, 16)] * SCALE

        def consume(g, b):
            drain_gather(b)
            scale(b)
            pltpu.async_copy(
                rows[b], out_hbm.at[pl.ds(base + g * CHUNK, CHUNK)], osem[b]
            )

        AHEAD = NBUF - 2
        for g0 in range(AHEAD):
            fire(g0, g0)

        def step(it, carry):
            for b in range(NBUF):
                g = it * NBUF + b
                bn = (b + AHEAD) % NBUF

                @pl.when(g + AHEAD < n_chunks)
                def _():
                    @pl.when(g >= NBUF - AHEAD)
                    def _():
                        drain_out(bn)

                    fire(g + AHEAD, bn)

                consume(g, b)
            return carry

        lax.fori_loop(0, n_chunks // NBUF, step, 0)
        for b in range(NBUF):
            drain_out(b)

    return pl.kernel(
        body,
        out_type=jax.ShapeDtypeStruct((n_total, DP), jnp.float32),
        mesh=mesh,
        scratch_types=(
            [pltpu.VMEM((n_idx_rows, BLK), jnp.int32)]
            + [pltpu.VMEM((CHUNK, DP), jnp.float32)] * NBUF
            + [pltpu.SemaphoreType.DMA] * (2 * NBUF)
        ),
        compiler_params=pltpu.CompilerParams(use_tc_tiling_on_sc=True),
    )


def kernel(x, table):
    b, l = x.shape
    n = b * l
    tpad = jnp.pad(table, ((0, 0), (0, DP - D)))
    idx = x.reshape(n // BLK, BLK).astype(jnp.int32)
    out = _make_kernel(n)(tpad, idx)
    return out[:, :D].reshape(b, l, D)

# --- scband reference (transcript-rebuilt; emitter-appended) ---
"""Pipeline reference for scband-embedding-layer-21715354648978 (READ-ONLY COPY).

The authoritative reference and input builder live on the scoring server;
editing this copy changes nothing except your own understanding.
"""

import jax, jax.numpy as jnp
import numpy as np
import math

VOCAB = 1000000
D_MODEL = 64
B = 4096
L = 200

def setup_inputs(seed: int = 0) -> dict:
    key = jax.random.key(seed)
    k_idx, k_tab = jax.random.split(key)
    x = jax.random.randint(k_idx, (B, L), 0, VOCAB, dtype=jnp.int64) if jax.config.jax_enable_x64 else jax.random.randint(k_idx, (B, L), 0, VOCAB, dtype=jnp.int32)
    table = jax.random.normal(k_tab, (VOCAB, D_MODEL), dtype=jnp.float32)
    return {"x": x, "table": table}

def reference(x, table):
    # EmbeddingLayer.forward: embedding lookup scaled by sqrt(d_model)
    emb = jnp.take(table, x, axis=0)
    return emb * math.sqrt(D_MODEL)

if __name__ == "__main__":
    import jax
    _d = setup_inputs()
    print(jax.jit(kernel)(*tuple(_d.values())))

</pallas_src>

<mosaic_0001>
#map = affine_map<(d0, d1) -> (0, 0)>
module attributes {stable_mosaic.version = 14 : i64} {
  func.func @body(%arg0: i32, %arg1: i32, %arg2: memref<1000000x128xf32, #tpu.memory_space<hbm>>, %arg3: memref<6400x128xi32, #tpu.memory_space<hbm>>, %arg4: memref<819200x128xf32, #tpu.memory_space<hbm>>, %arg5: memref<200x128xi32, #tpu.memory_space<vmem>>, %arg6: memref<128x128xf32, #tpu.memory_space<vmem>>, %arg7: memref<128x128xf32, #tpu.memory_space<vmem>>, %arg8: memref<128x128xf32, #tpu.memory_space<vmem>>, %arg9: memref<128x128xf32, #tpu.memory_space<vmem>>, %arg10: memref<!tpu.dma_semaphore, #tpu.memory_space<semaphore_mem>>, %arg11: memref<!tpu.dma_semaphore, #tpu.memory_space<semaphore_mem>>, %arg12: memref<!tpu.dma_semaphore, #tpu.memory_space<semaphore_mem>>, %arg13: memref<!tpu.dma_semaphore, #tpu.memory_space<semaphore_mem>>, %arg14: memref<!tpu.dma_semaphore, #tpu.memory_space<semaphore_mem>>, %arg15: memref<!tpu.dma_semaphore, #tpu.memory_space<semaphore_mem>>, %arg16: memref<!tpu.dma_semaphore, #tpu.memory_space<semaphore_mem>>, %arg17: memref<!tpu.dma_semaphore, #tpu.memory_space<semaphore_mem>>) attributes {dimension_semantics = [#tpu.dimension_semantics<core_parallel>, #tpu.dimension_semantics<subcore_parallel>], iteration_bounds = array<i64: 2, 16>, scalar_prefetch = 0 : i64, scratch_operands = 13 : i64, tpu.core_type = #tpu.core_type<sc_vector_subcore>, window_params = [{transform_indices = #map}, {transform_indices = #map}, {transform_indices = #map}]} {
    %mul3A = arith.constant 2 : i32
    %mul3A_0 = arith.muli %arg1, %mul3A : i32
    %add3A = arith.addi %mul3A_0, %arg0 : i32
    %mul3A_1 = arith.constant 25600 : i32
    %mul3A_2 = arith.muli %add3A, %mul3A_1 : i32
    %mul3A_3 = arith.constant 200 : i32
    %mul3A_4 = arith.muli %add3A, %mul3A_3 : i32
    "tpu.region"() ({
      %run_scoped3A = tpu.sem_alloc : memref<!tpu.dma_semaphore, #tpu.memory_space<semaphore_mem>>
      %dma_start3A_46 = arith.constant 0 : i32
      %dma_start3A_47 = tpu.memref_slice %arg3[%mul3A_4, %dma_start3A_46] : memref<6400x128xi32, #tpu.memory_space<hbm>> -> memref<200x128xi32, #tpu.memory_space<hbm>>
      %dma_start3A_48 = arith.constant 0 : i32
      %dma_start3A_49 = tpu.memref_slice %arg3[%mul3A_4, %dma_start3A_48] : memref<6400x128xi32, #tpu.memory_space<hbm>> -> memref<200x128xi32, #tpu.memory_space<hbm>>
      tpu.enqueue_dma source(%dma_start3A_49 : memref<200x128xi32, #tpu.memory_space<hbm>>) target(%arg5 : memref<200x128xi32, #tpu.memory_space<vmem>>) target_semaphore(%run_scoped3A : memref<!tpu.dma_semaphore, #tpu.memory_space<semaphore_mem>>)
      %dma_wait3A_50 = arith.constant 0 : i32
      %dma_wait3A_51 = tpu.memref_slice %arg3[%mul3A_4, %dma_wait3A_50] : memref<6400x128xi32, #tpu.memory_space<hbm>> -> memref<200x128xi32, #tpu.memory_space<hbm>>
      %dma_wait3A_52 = arith.constant 0 : i32
      %dma_wait3A_53 = tpu.memref_slice %arg3[%mul3A_4, %dma_wait3A_52] : memref<6400x128xi32, #tpu.memory_space<hbm>> -> memref<200x128xi32, #tpu.memory_space<hbm>>
      tpu.wait_dma2 semaphore(%run_scoped3A : memref<!tpu.dma_semaphore, #tpu.memory_space<semaphore_mem>>) src(%dma_wait3A_53 : memref<200x128xi32, #tpu.memory_space<hbm>>) dst(%arg5 : memref<200x128xi32, #tpu.memory_space<vmem>>)
      tpu.yield
    }) : () -> ()
    %dma_start3A = arith.constant 0 : i32
    %dma_start3A_5 = arith.constant 0 : i32
    %dma_start3A_6 = tpu.memref_slice %arg5[%dma_start3A, %dma_start3A_5] : memref<200x128xi32, #tpu.memory_space<vmem>> -> memref<1x128xi32, #tpu.memory_space<vmem>>
    %dma_start3A_7 = tpu.memref_squeeze %dma_start3A_6 : memref<1x128xi32, #tpu.memory_space<vmem>> -> memref<128xi32, #tpu.memory_space<vmem>>
    %dma_start3A_8 = arith.constant 0 : i32
    %dma_start3A_9 = arith.constant 0 : i32
    %dma_start3A_10 = tpu.memref_slice %arg2[%dma_start3A_8, %dma_start3A_9] : memref<1000000x128xf32, #tpu.memory_space<hbm>> -> memref<1000000x128xf32, #tpu.memory_space<hbm>>
    tpu.enqueue_indirect_dma source(%dma_start3A_10 : memref<1000000x128xf32, #tpu.memory_space<hbm>>) target(%arg6 : memref<128x128xf32, #tpu.memory_space<vmem>>) offsets(%dma_start3A_7 : memref<128xi32, #tpu.memory_space<vmem>>) semaphore(%arg10 : memref<!tpu.dma_semaphore, #tpu.memory_space<semaphore_mem>>)
    %dma_start3A_11 = arith.constant 1 : i32
    %dma_start3A_12 = arith.constant 0 : i32
    %dma_start3A_13 = tpu.memref_slice %arg5[%dma_start3A_11, %dma_start3A_12] : memref<200x128xi32, #tpu.memory_space<vmem>> -> memref<1x128xi32, #tpu.memory_space<vmem>>
    %dma_start3A_14 = tpu.memref_squeeze %dma_start3A_13 : memref<1x128xi32, #tpu.memory_space<vmem>> -> memref<128xi32, #tpu.memory_space<vmem>>
    %dma_start3A_15 = arith.constant 0 : i32
    %dma_start3A_16 = arith.constant 0 : i32
    %dma_start3A_17 = tpu.memref_slice %arg2[%dma_start3A_15, %dma_start3A_16] : memref<1000000x128xf32, #tpu.memory_space<hbm>> -> memref<1000000x128xf32, #tpu.memory_space<hbm>>
    tpu.enqueue_indirect_dma source(%dma_start3A_17 : memref<1000000x128xf32, #tpu.memory_space<hbm>>) target(%arg7 : memref<128x128xf32, #tpu.memory_space<vmem>>) offsets(%dma_start3A_14 : memref<128xi32, #tpu.memory_space<vmem>>) semaphore(%arg11 : memref<!tpu.dma_semaphore, #tpu.memory_space<semaphore_mem>>)
    %scan3A = arith.constant 0 : i32
    %scan3A_18 = arith.constant 0 : i32
    %scan3A_19 = arith.constant 50 : i32
    %scan3A_20 = arith.addi %scan3A_18, %scan3A_19 : i32
    %scan3A_21 = arith.constant 1 : i32
    scf.for %scan3A_46 = %scan3A_18 to %scan3A_20 step %scan3A_21  : i32 {
      %mul3A_47 = arith.constant 4 : i32
      %mul3A_48 = arith.muli %scan3A_46, %mul3A_47 : i32
      %add3A_49 = arith.constant 0 : i32
      %add3A_50 = arith.addi %mul3A_48, %add3A_49 : i32
      %add3A_51 = arith.constant 2 : i32
      %add3A_52 = arith.addi %add3A_50, %add3A_51 : i32
      %lt3A = arith.constant 200 : i32
      %lt3A_53 = arith.cmpi slt, %add3A_52, %lt3A : i32
      %convert_element_type3A = arith.extui %lt3A_53 : i1 to i32
      %cond3A = arith.constant 0 : i32
      %cond3A_54 = arith.cmpi ne, %convert_element_type3A, %cond3A : i32
      scf.if %cond3A_54 {
        %ge3A = arith.constant 2 : i32
        %ge3A_151 = arith.cmpi sge, %add3A_50, %ge3A : i32
        %convert_element_type3A_152 = arith.extui %ge3A_151 : i1 to i32
        %cond3A_153 = arith.constant 0 : i32
        %cond3A_154 = arith.cmpi ne, %convert_element_type3A_152, %cond3A_153 : i32
        scf.if %cond3A_154 {
          %dma_wait3A_163 = arith.constant 0 : i32
          %dma_wait3A_164 = arith.constant 0 : i32
          %dma_wait3A_165 = tpu.memref_slice %arg2[%dma_wait3A_163, %dma_wait3A_164] : memref<1000000x128xf32, #tpu.memory_space<hbm>> -> memref<128x128xf32, #tpu.memory_space<hbm>>
          %dma_wait3A_166 = arith.constant 0 : i32
          %dma_wait3A_167 = arith.constant 0 : i32
          %dma_wait3A_168 = tpu.memref_slice %arg2[%dma_wait3A_166, %dma_wait3A_167] : memref<1000000x128xf32, #tpu.memory_space<hbm>> -> memref<128x128xf32, #tpu.memory_space<hbm>>
          tpu.wait_dma2 semaphore(%arg16 : memref<!tpu.dma_semaphore, #tpu.memory_space<semaphore_mem>>) src(%dma_wait3A_168 : memref<128x128xf32, #tpu.memory_space<hbm>>) dst(%arg8 : memref<128x128xf32, #tpu.memory_space<vmem>>)
        } else {
        }
        %add3A_155 = arith.constant 2 : i32
        %add3A_156 = arith.addi %add3A_50, %add3A_155 : i32
        %dma_start3A_157 = arith.constant 0 : i32
        %dma_start3A_158 = tpu.memref_slice %arg5[%add3A_156, %dma_start3A_157] : memref<200x128xi32, #tpu.memory_space<vmem>> -> memref<1x128xi32, #tpu.memory_space<vmem>>
        %dma_start3A_159 = tpu.memref_squeeze %dma_start3A_158 : memref<1x128xi32, #tpu.memory_space<vmem>> -> memref<128xi32, #tpu.memory_space<vmem>>
        %dma_start3A_160 = arith.constant 0 : i32
        %dma_start3A_161 = arith.constant 0 : i32
        %dma_start3A_162 = tpu.memref_slice %arg2[%dma_start3A_160, %dma_start3A_161] : memref<1000000x128xf32, #tpu.memory_space<hbm>> -> memref<1000000x128xf32, #tpu.memory_space<hbm>>
        tpu.enqueue_indirect_dma source(%dma_start3A_162 : memref<1000000x128xf32, #tpu.memory_space<hbm>>) target(%arg8 : memref<128x128xf32, #tpu.memory_space<vmem>>) offsets(%dma_start3A_159 : memref<128xi32, #tpu.memory_space<vmem>>) semaphore(%arg12 : memref<!tpu.dma_semaphore, #tpu.memory_space<semaphore_mem>>)
      } else {
      }
      %dma_wait3A_55 = arith.constant 0 : i32
      %dma_wait3A_56 = arith.constant 0 : i32
      %dma_wait3A_57 = tpu.memref_slice %arg2[%dma_wait3A_55, %dma_wait3A_56] : memref<1000000x128xf32, #tpu.memory_space<hbm>> -> memref<128x128xf32, #tpu.memory_space<hbm>>
      %dma_wait3A_58 = arith.constant 0 : i32
      %dma_wait3A_59 = arith.constant 0 : i32
      %dma_wait3A_60 = tpu.memref_slice %arg2[%dma_wait3A_58, %dma_wait3A_59] : memref<1000000x128xf32, #tpu.memory_space<hbm>> -> memref<128x128xf32, #tpu.memory_space<hbm>>
      tpu.wait_dma2 semaphore(%arg10 : memref<!tpu.dma_semaphore, #tpu.memory_space<semaphore_mem>>) src(%dma_wait3A_60 : memref<128x128xf32, #tpu.memory_space<hbm>>) dst(%arg6 : memref<128x128xf32, #tpu.memory_space<vmem>>)
      %parallel_loop3A = arith.constant 0 : i32
      %parallel_loop3A_61 = arith.constant 128 : i32
      %parallel_loop3A_62 = arith.constant 1 : i32
      scf.for %parallel_loop3A_151 = %parallel_loop3A to %parallel_loop3A_61 step %parallel_loop3A_62  : i32 {
        %parallel_loop3A_152 = arith.index_cast %parallel_loop3A_151 : i32 to index
        %parallel_loop3A_153 = arith.constant 0 : index
        %parallel_loop3A_154 = tpu.vector_load %arg6[%parallel_loop3A_152, %parallel_loop3A_153] {strides = array<i32>} : memref<128x128xf32, #tpu.memory_space<vmem>>, vector<1x16xf32>,
        %parallel_loop3A_155 = vector.shape_cast %parallel_loop3A_154 : vector<1x16xf32> to vector<16xf32>
        %parallel_loop3A_156 = arith.constant 8.000000e+00 : f32
        %parallel_loop3A_157 = vector.broadcast %parallel_loop3A_156 : f32 to vector<16xf32>
        %parallel_loop3A_158 = arith.mulf %parallel_loop3A_155, %parallel_loop3A_157 : vector<16xf32>
        %parallel_loop3A_159 = arith.index_cast %parallel_loop3A_151 : i32 to index
        %parallel_loop3A_160 = arith.constant 0 : index
        %parallel_loop3A_161 = tpu.vector_load %arg6[%parallel_loop3A_159, %parallel_loop3A_160] {strides = array<i32>} : memref<128x128xf32, #tpu.memory_space<vmem>>, vector<1x16xf32>,
        %parallel_loop3A_162 = vector.shape_cast %parallel_loop3A_161 : vector<1x16xf32> to vector<16xf32>
        %parallel_loop3A_163 = vector.shape_cast %parallel_loop3A_158 : vector<16xf32> to vector<1x16xf32>
        tpu.vector_store %arg6[%parallel_loop3A_159, %parallel_loop3A_160], %parallel_loop3A_163 {strides = array<i32>} : memref<128x128xf32, #tpu.memory_space<vmem>>, vector<1x16xf32>,
        %parallel_loop3A_164 = arith.index_cast %parallel_loop3A_151 : i32 to index
        %parallel_loop3A_165 = arith.constant 16 : index
        %parallel_loop3A_166 = tpu.vector_load %arg6[%parallel_loop3A_164, %parallel_loop3A_165] {strides = array<i32>} : memref<128x128xf32, #tpu.memory_space<vmem>>, vector<1x16xf32>,
        %parallel_loop3A_167 = vector.shape_cast %parallel_loop3A_166 : vector<1x16xf32> to vector<16xf32>
        %parallel_loop3A_168 = arith.constant 8.000000e+00 : f32
        %parallel_loop3A_169 = vector.broadcast %parallel_loop3A_168 : f32 to vector<16xf32>
        %parallel_loop3A_170 = arith.mulf %parallel_loop3A_167, %parallel_loop3A_169 : vector<16xf32>
        %parallel_loop3A_171 = arith.index_cast %parallel_loop3A_151 : i32 to index
        %parallel_loop3A_172 = arith.constant 16 : index
        %parallel_loop3A_173 = tpu.vector_load %arg6[%parallel_loop3A_171, %parallel_loop3A_172] {strides = array<i32>} : memref<128x128xf32, #tpu.memory_space<vmem>>, vector<1x16xf32>,
        %parallel_loop3A_174 = vector.shape_cast %parallel_loop3A_173 : vector<1x16xf32> to vector<16xf32>
        %parallel_loop3A_175 = vector.shape_cast %parallel_loop3A_170 : vector<16xf32> to vector<1x16xf32>
        tpu.vector_store %arg6[%parallel_loop3A_171, %parallel_loop3A_172], %parallel_loop3A_175 {strides = array<i32>} : memref<128x128xf32, #tpu.memory_space<vmem>>, vector<1x16xf32>,
        %parallel_loop3A_176 = arith.index_cast %parallel_loop3A_151 : i32 to index
        %parallel_loop3A_177 = arith.constant 32 : index
        %parallel_loop3A_178 = tpu.vector_load %arg6[%parallel_loop3A_176, %parallel_loop3A_177] {strides = array<i32>} : memref<128x128xf32, #tpu.memory_space<vmem>>, vector<1x16xf32>,
        %parallel_loop3A_179 = vector.shape_cast %parallel_loop3A_178 : vector<1x16xf32> to vector<16xf32>
        %parallel_loop3A_180 = arith.constant 8.000000e+00 : f32
        %parallel_loop3A_181 = vector.broadcast %parallel_loop3A_180 : f32 to vector<16xf32>
        %parallel_loop3A_182 = arith.mulf %parallel_loop3A_179, %parallel_loop3A_181 : vector<16xf32>
        %parallel_loop3A_183 = arith.index_cast %parallel_loop3A_151 : i32 to index
        %parallel_loop3A_184 = arith.constant 32 : index
        %parallel_loop3A_185 = tpu.vector_load %arg6[%parallel_loop3A_183, %parallel_loop3A_184] {strides = array<i32>} : memref<128x128xf32, #tpu.memory_space<vmem>>, vector<1x16xf32>,
        %parallel_loop3A_186 = vector.shape_cast %parallel_loop3A_185 : vector<1x16xf32> to vector<16xf32>
        %parallel_loop3A_187 = vector.shape_cast %parallel_loop3A_182 : vector<16xf32> to vector<1x16xf32>
        tpu.vector_store %arg6[%parallel_loop3A_183, %parallel_loop3A_184], %parallel_loop3A_187 {strides = array<i32>} : memref<128x128xf32, #tpu.memory_space<vmem>>, vector<1x16xf32>,
        %parallel_loop3A_188 = arith.index_cast %parallel_loop3A_151 : i32 to index
        %parallel_loop3A_189 = arith.constant 48 : index
        %parallel_loop3A_190 = tpu.vector_load %arg6[%parallel_loop3A_188, %parallel_loop3A_189] {strides = array<i32>} : memref<128x128xf32, #tpu.memory_space<vmem>>, vector<1x16xf32>,
        %parallel_loop3A_191 = vector.shape_cast %parallel_loop3A_190 : vector<1x16xf32> to vector<16xf32>
        %parallel_loop3A_192 = arith.constant 8.000000e+00 : f32
        %parallel_loop3A_193 = vector.broadcast %parallel_loop3A_192 : f32 to vector<16xf32>
        %parallel_loop3A_194 = arith.mulf %parallel_loop3A_191, %parallel_loop3A_193 : vector<16xf32>
        %parallel_loop3A_195 = arith.index_cast %parallel_loop3A_151 : i32 to index
        %parallel_loop3A_196 = arith.constant 48 : index
        %parallel_loop3A_197 = tpu.vector_load %arg6[%parallel_loop3A_195, %parallel_loop3A_196] {strides = array<i32>} : memref<128x128xf32, #tpu.memory_space<vmem>>, vector<1x16xf32>,
        %parallel_loop3A_198 = vector.shape_cast %parallel_loop3A_197 : vector<1x16xf32> to vector<16xf32>
        %parallel_loop3A_199 = vector.shape_cast %parallel_loop3A_194 : vector<16xf32> to vector<1x16xf32>
        tpu.vector_store %arg6[%parallel_loop3A_195, %parallel_loop3A_196], %parallel_loop3A_199 {strides = array<i32>} : memref<128x128xf32, #tpu.memory_space<vmem>>, vector<1x16xf32>,
      } {sc.loop_unroll_factor = 8 : i64, sc.parallel_access}
      %mul3A_63 = arith.constant 128 : i32
      %mul3A_64 = arith.muli %add3A_50, %mul3A_63 : i32
      %add3A_65 = arith.addi %mul3A_2, %mul3A_64 : i32
      %dma_start3A_66 = arith.constant 0 : i32
      %dma_start3A_67 = tpu.memref_slice %arg4[%add3A_65, %dma_start3A_66] : memref<819200x128xf32, #tpu.memory_space<hbm>> -> memref<128x128xf32, #tpu.memory_space<hbm>>
      %dma_start3A_68 = arith.constant 0 : i32
      %dma_start3A_69 = tpu.memref_slice %arg4[%add3A_65, %dma_start3A_68] : memref<819200x128xf32, #tpu.memory_space<hbm>> -> memref<128x128xf32, #tpu.memory_space<hbm>>
      tpu.enqueue_dma source(%arg6 : memref<128x128xf32, #tpu.memory_space<vmem>>) target(%dma_start3A_69 : memref<128x128xf32, #tpu.memory_space<hbm>>) target_semaphore(%arg14 : memref<!tpu.dma_semaphore, #tpu.memory_space<semaphore_mem>>)
      %mul3A_70 = arith.constant 4 : i32
      %mul3A_71 = arith.muli %scan3A_46, %mul3A_70 : i32
      %add3A_72 = arith.constant 1 : i32
      %add3A_73 = arith.addi %mul3A_71, %add3A_72 : i32
      %add3A_74 = arith.constant 2 : i32
      %add3A_75 = arith.addi %add3A_73, %add3A_74 : i32
      %lt3A_76 = arith.constant 200 : i32
      %lt3A_77 = arith.cmpi slt, %add3A_75, %lt3A_76 : i32
      %convert_element_type3A_78 = arith.extui %lt3A_77 : i1 to i32
      %cond3A_79 = arith.constant 0 : i32
      %cond3A_80 = arith.cmpi ne, %convert_element_type3A_78, %cond3A_79 : i32
      scf.if %cond3A_80 {
        %ge3A = arith.constant 2 : i32
        %ge3A_151 = arith.cmpi sge, %add3A_73, %ge3A : i32
        %convert_element_type3A_152 = arith.extui %ge3A_151 : i1 to i32
        %cond3A_153 = arith.constant 0 : i32
        %cond3A_154 = arith.cmpi ne, %convert_element_type3A_152, %cond3A_153 : i32
        scf.if %cond3A_154 {
          %dma_wait3A_163 = arith.constant 0 : i32
          %dma_wait3A_164 = arith.constant 0 : i32
          %dma_wait3A_165 = tpu.memref_slice %arg2[%dma_wait3A_163, %dma_wait3A_164] : memref<1000000x128xf32, #tpu.memory_space<hbm>> -> memref<128x128xf32, #tpu.memory_space<hbm>>
          %dma_wait3A_166 = arith.constant 0 : i32
          %dma_wait3A_167 = arith.constant 0 : i32
          %dma_wait3A_168 = tpu.memref_slice %arg2[%dma_wait3A_166, %dma_wait3A_167] : memref<1000000x128xf32, #tpu.memory_space<hbm>> -> memref<128x128xf32, #tpu.memory_space<hbm>>
          tpu.wait_dma2 semaphore(%arg17 : memref<!tpu.dma_semaphore, #tpu.memory_space<semaphore_mem>>) src(%dma_wait3A_168 : memref<128x128xf32, #tpu.memory_space<hbm>>) dst(%arg9 : memref<128x128xf32, #tpu.memory_space<vmem>>)
        } else {
        }
        %add3A_155 = arith.constant 2 : i32
        %add3A_156 = arith.addi %add3A_73, %add3A_155 : i32
        %dma_start3A_157 = arith.constant 0 : i32
        %dma_start3A_158 = tpu.memref_slice %arg5[%add3A_156, %dma_start3A_157] : memref<200x128xi32, #tpu.memory_space<vmem>> -> memref<1x128xi32, #tpu.memory_space<vmem>>
        %dma_start3A_159 = tpu.memref_squeeze %dma_start3A_158 : memref<1x128xi32, #tpu.memory_space<vmem>> -> memref<128xi32, #tpu.memory_space<vmem>>
        %dma_start3A_160 = arith.constant 0 : i32
        %dma_start3A_161 = arith.constant 0 : i32
        %dma_start3A_162 = tpu.memref_slice %arg2[%dma_start3A_160, %dma_start3A_161] : memref<1000000x128xf32, #tpu.memory_space<hbm>> -> memref<1000000x128xf32, #tpu.memory_space<hbm>>
        tpu.enqueue_indirect_dma source(%dma_start3A_162 : memref<1000000x128xf32, #tpu.memory_space<hbm>>) target(%arg9 : memref<128x128xf32, #tpu.memory_space<vmem>>) offsets(%dma_start3A_159 : memref<128xi32, #tpu.memory_space<vmem>>) semaphore(%arg13 : memref<!tpu.dma_semaphore, #tpu.memory_space<semaphore_mem>>)
      } else {
      }
      %dma_wait3A_81 = arith.constant 0 : i32
      %dma_wait3A_82 = arith.constant 0 : i32
      %dma_wait3A_83 = tpu.memref_slice %arg2[%dma_wait3A_81, %dma_wait3A_82] : memref<1000000x128xf32, #tpu.memory_space<hbm>> -> memref<128x128xf32, #tpu.memory_space<hbm>>
      %dma_wait3A_84 = arith.constant 0 : i32
      %dma_wait3A_85 = arith.constant 0 : i32
      %dma_wait3A_86 = tpu.memref_slice %arg2[%dma_wait3A_84, %dma_wait3A_85] : memref<1000000x128xf32, #tpu.memory_space<hbm>> -> memref<128x128xf32, #tpu.memory_space<hbm>>
      tpu.wait_dma2 semaphore(%arg11 : memref<!tpu.dma_semaphore, #tpu.memory_space<semaphore_mem>>) src(%dma_wait3A_86 : memref<128x128xf32, #tpu.memory_space<hbm>>) dst(%arg7 : memref<128x128xf32, #tpu.memory_space<vmem>>)
      %parallel_loop3A_87 = arith.constant 0 : i32
      %parallel_loop3A_88 = arith.constant 128 : i32
      %parallel_loop3A_89 = arith.constant 1 : i32
      scf.for %parallel_loop3A_151 = %parallel_loop3A_87 to %parallel_loop3A_88 step %parallel_loop3A_89  : i32 {
        %parallel_loop3A_152 = arith.index_cast %parallel_loop3A_151 : i32 to index
        %parallel_loop3A_153 = arith.constant 0 : index
        %parallel_loop3A_154 = tpu.vector_load %arg7[%parallel_loop3A_152, %parallel_loop3A_153] {strides = array<i32>} : memref<128x128xf32, #tpu.memory_space<vmem>>, vector<1x16xf32>,
        %parallel_loop3A_155 = vector.shape_cast %parallel_loop3A_154 : vector<1x16xf32> to vector<16xf32>
        %parallel_loop3A_156 = arith.constant 8.000000e+00 : f32
        %parallel_loop3A_157 = vector.broadcast %parallel_loop3A_156 : f32 to vector<16xf32>
        %parallel_loop3A_158 = arith.mulf %parallel_loop3A_155, %parallel_loop3A_157 : vector<16xf32>
        %parallel_loop3A_159 = arith.index_cast %parallel_loop3A_151 : i32 to index
        %parallel_loop3A_160 = arith.constant 0 : index
        %parallel_loop3A_161 = tpu.vector_load %arg7[%parallel_loop3A_159, %parallel_loop3A_160] {strides = array<i32>} : memref<128x128xf32, #tpu.memory_space<vmem>>, vector<1x16xf32>,
        %parallel_loop3A_162 = vector.shape_cast %parallel_loop3A_161 : vector<1x16xf32> to vector<16xf32>
        %parallel_loop3A_163 = vector.shape_cast %parallel_loop3A_158 : vector<16xf32> to vector<1x16xf32>
        tpu.vector_store %arg7[%parallel_loop3A_159, %parallel_loop3A_160], %parallel_loop3A_163 {strides = array<i32>} : memref<128x128xf32, #tpu.memory_space<vmem>>, vector<1x16xf32>,
        %parallel_loop3A_164 = arith.index_cast %parallel_loop3A_151 : i32 to index
        %parallel_loop3A_165 = arith.constant 16 : index
        %parallel_loop3A_166 = tpu.vector_load %arg7[%parallel_loop3A_164, %parallel_loop3A_165] {strides = array<i32>} : memref<128x128xf32, #tpu.memory_space<vmem>>, vector<1x16xf32>,
        %parallel_loop3A_167 = vector.shape_cast %parallel_loop3A_166 : vector<1x16xf32> to vector<16xf32>
        %parallel_loop3A_168 = arith.constant 8.000000e+00 : f32
        %parallel_loop3A_169 = vector.broadcast %parallel_loop3A_168 : f32 to vector<16xf32>
        %parallel_loop3A_170 = arith.mulf %parallel_loop3A_167, %parallel_loop3A_169 : vector<16xf32>
        %parallel_loop3A_171 = arith.index_cast %parallel_loop3A_151 : i32 to index
        %parallel_loop3A_172 = arith.constant 16 : index
        %parallel_loop3A_173 = tpu.vector_load %arg7[%parallel_loop3A_171, %parallel_loop3A_172] {strides = array<i32>} : memref<128x128xf32, #tpu.memory_space<vmem>>, vector<1x16xf32>,
        %parallel_loop3A_174 = vector.shape_cast %parallel_loop3A_173 : vector<1x16xf32> to vector<16xf32>
        %parallel_loop3A_175 = vector.shape_cast %parallel_loop3A_170 : vector<16xf32> to vector<1x16xf32>
        tpu.vector_store %arg7[%parallel_loop3A_171, %parallel_loop3A_172], %parallel_loop3A_175 {strides = array<i32>} : memref<128x128xf32, #tpu.memory_space<vmem>>, vector<1x16xf32>,
        %parallel_loop3A_176 = arith.index_cast %parallel_loop3A_151 : i32 to index
        %parallel_loop3A_177 = arith.constant 32 : index
        %parallel_loop3A_178 = tpu.vector_load %arg7[%parallel_loop3A_176, %parallel_loop3A_177] {strides = array<i32>} : memref<128x128xf32, #tpu.memory_space<vmem>>, vector<1x16xf32>,
        %parallel_loop3A_179 = vector.shape_cast %parallel_loop3A_178 : vector<1x16xf32> to vector<16xf32>
        %parallel_loop3A_180 = arith.constant 8.000000e+00 : f32
        %parallel_loop3A_181 = vector.broadcast %parallel_loop3A_180 : f32 to vector<16xf32>
        %parallel_loop3A_182 = arith.mulf %parallel_loop3A_179, %parallel_loop3A_181 : vector<16xf32>
        %parallel_loop3A_183 = arith.index_cast %parallel_loop3A_151 : i32 to index
        %parallel_loop3A_184 = arith.constant 32 : index
        %parallel_loop3A_185 = tpu.vector_load %arg7[%parallel_loop3A_183, %parallel_loop3A_184] {strides = array<i32>} : memref<128x128xf32, #tpu.memory_space<vmem>>, vector<1x16xf32>,
        %parallel_loop3A_186 = vector.shape_cast %parallel_loop3A_185 : vector<1x16xf32> to vector<16xf32>
        %parallel_loop3A_187 = vector.shape_cast %parallel_loop3A_182 : vector<16xf32> to vector<1x16xf32>
        tpu.vector_store %arg7[%parallel_loop3A_183, %parallel_loop3A_184], %parallel_loop3A_187 {strides = array<i32>} : memref<128x128xf32, #tpu.memory_space<vmem>>, vector<1x16xf32>,
        %parallel_loop3A_188 = arith.index_cast %parallel_loop3A_151 : i32 to index
        %parallel_loop3A_189 = arith.constant 48 : index
        %parallel_loop3A_190 = tpu.vector_load %arg7[%parallel_loop3A_188, %parallel_loop3A_189] {strides = array<i32>} : memref<128x128xf32, #tpu.memory_space<vmem>>, vector<1x16xf32>,
        %parallel_loop3A_191 = vector.shape_cast %parallel_loop3A_190 : vector<1x16xf32> to vector<16xf32>
        %parallel_loop3A_192 = arith.constant 8.000000e+00 : f32
        %parallel_loop3A_193 = vector.broadcast %parallel_loop3A_192 : f32 to vector<16xf32>
        %parallel_loop3A_194 = arith.mulf %parallel_loop3A_191, %parallel_loop3A_193 : vector<16xf32>
        %parallel_loop3A_195 = arith.index_cast %parallel_loop3A_151 : i32 to index
        %parallel_loop3A_196 = arith.constant 48 : index
        %parallel_loop3A_197 = tpu.vector_load %arg7[%parallel_loop3A_195, %parallel_loop3A_196] {strides = array<i32>} : memref<128x128xf32, #tpu.memory_space<vmem>>, vector<1x16xf32>,
        %parallel_loop3A_198 = vector.shape_cast %parallel_loop3A_197 : vector<1x16xf32> to vector<16xf32>
        %parallel_loop3A_199 = vector.shape_cast %parallel_loop3A_194 : vector<16xf32> to vector<1x16xf32>
        tpu.vector_store %arg7[%parallel_loop3A_195, %parallel_loop3A_196], %parallel_loop3A_199 {strides = array<i32>} : memref<128x128xf32, #tpu.memory_space<vmem>>, vector<1x16xf32>,
      } {sc.loop_unroll_factor = 8 : i64, sc.parallel_access}
      %mul3A_90 = arith.constant 128 : i32
      %mul3A_91 = arith.muli %add3A_73, %mul3A_90 : i32
      %add3A_92 = arith.addi %mul3A_2, %mul3A_91 : i32
      %dma_start3A_93 = arith.constant 0 : i32
      %dma_start3A_94 = tpu.memref_slice %arg4[%add3A_92, %dma_start3A_93] : memref<819200x128xf32, #tpu.memory_space<hbm>> -> memref<128x128xf32, #tpu.memory_space<hbm>>
      %dma_start3A_95 = arith.constant 0 : i32
      %dma_start3A_96 = tpu.memref_slice %arg4[%add3A_92, %dma_start3A_95] : memref<819200x128xf32, #tpu.memory_space<hbm>> -> memref<128x128xf32, #tpu.memory_space<hbm>>
      tpu.enqueue_dma source(%arg7 : memref<128x128xf32, #tpu.memory_space<vmem>>) target(%dma_start3A_96 : memref<128x128xf32, #tpu.memory_space<hbm>>) target_semaphore(%arg15 : memref<!tpu.dma_semaphore, #tpu.memory_space<semaphore_mem>>)
      %mul3A_97 = arith.constant 4 : i32
      %mul3A_98 = arith.muli %scan3A_46, %mul3A_97 : i32
      %add3A_99 = arith.constant 2 : i32
      %add3A_100 = arith.addi %mul3A_98, %add3A_99 : i32
      %add3A_101 = arith.constant 2 : i32
      %add3A_102 = arith.addi %add3A_100, %add3A_101 : i32
      %lt3A_103 = arith.constant 200 : i32
      %lt3A_104 = arith.cmpi slt, %add3A_102, %lt3A_103 : i32
      %convert_element_type3A_105 = arith.extui %lt3A_104 : i1 to i32
      %cond3A_106 = arith.constant 0 : i32
      %cond3A_107 = arith.cmpi ne, %convert_element_type3A_105, %cond3A_106 : i32
      scf.if %cond3A_107 {
        %ge3A = arith.constant 2 : i32
        %ge3A_151 = arith.cmpi sge, %add3A_100, %ge3A : i32
        %convert_element_type3A_152 = arith.extui %ge3A_151 : i1 to i32
        %cond3A_153 = arith.constant 0 : i32
        %cond3A_154 = arith.cmpi ne, %convert_element_type3A_152, %cond3A_153 : i32
        scf.if %cond3A_154 {
          %dma_wait3A_163 = arith.constant 0 : i32
          %dma_wait3A_164 = arith.constant 0 : i32
          %dma_wait3A_165 = tpu.memref_slice %arg2[%dma_wait3A_163, %dma_wait3A_164] : memref<1000000x128xf32, #tpu.memory_space<hbm>> -> memref<128x128xf32, #tpu.memory_space<hbm>>
          %dma_wait3A_166 = arith.constant 0 : i32
          %dma_wait3A_167 = arith.constant 0 : i32
          %dma_wait3A_168 = tpu.memref_slice %arg2[%dma_wait3A_166, %dma_wait3A_167] : memref<1000000x128xf32, #tpu.memory_space<hbm>> -> memref<128x128xf32, #tpu.memory_space<hbm>>
          tpu.wait_dma2 semaphore(%arg14 : memref<!tpu.dma_semaphore, #tpu.memory_space<semaphore_mem>>) src(%dma_wait3A_168 : memref<128x128xf32, #tpu.memory_space<hbm>>) dst(%arg6 : memref<128x128xf32, #tpu.memory_space<vmem>>)
        } else {
        }
        %add3A_155 = arith.constant 2 : i32
        %add3A_156 = arith.addi %add3A_100, %add3A_155 : i32
        %dma_start3A_157 = arith.constant 0 : i32
        %dma_start3A_158 = tpu.memref_slice %arg5[%add3A_156, %dma_start3A_157] : memref<200x128xi32, #tpu.memory_space<vmem>> -> memref<1x128xi32, #tpu.memory_space<vmem>>
        %dma_start3A_159 = tpu.memref_squeeze %dma_start3A_158 : memref<1x128xi32, #tpu.memory_space<vmem>> -> memref<128xi32, #tpu.memory_space<vmem>>
        %dma_start3A_160 = arith.constant 0 : i32
        %dma_start3A_161 = arith.constant 0 : i32
        %dma_start3A_162 = tpu.memref_slice %arg2[%dma_start3A_160, %dma_start3A_161] : memref<1000000x128xf32, #tpu.memory_space<hbm>> -> memref<1000000x128xf32, #tpu.memory_space<hbm>>
        tpu.enqueue_indirect_dma source(%dma_start3A_162 : memref<1000000x128xf32, #tpu.memory_space<hbm>>) target(%arg6 : memref<128x128xf32, #tpu.memory_space<vmem>>) offsets(%dma_start3A_159 : memref<128xi32, #tpu.memory_space<vmem>>) semaphore(%arg10 : memref<!tpu.dma_semaphore, #tpu.memory_space<semaphore_mem>>)
      } else {
      }
      %dma_wait3A_108 = arith.constant 0 : i32
      %dma_wait3A_109 = arith.constant 0 : i32
      %dma_wait3A_110 = tpu.memref_slice %arg2[%dma_wait3A_108, %dma_wait3A_109] : memref<1000000x128xf32, #tpu.memory_space<hbm>> -> memref<128x128xf32, #tpu.memory_space<hbm>>
      %dma_wait3A_111 = arith.constant 0 : i32
      %dma_wait3A_112 = arith.constant 0 : i32
      %dma_wait3A_113 = tpu.memref_slice %arg2[%dma_wait3A_111, %dma_wait3A_112] : memref<1000000x128xf32, #tpu.memory_space<hbm>> -> memref<128x128xf32, #tpu.memory_space<hbm>>
      tpu.wait_dma2 semaphore(%arg12 : memref<!tpu.dma_semaphore, #tpu.memory_space<semaphore_mem>>) src(%dma_wait3A_113 : memref<128x128xf32, #tpu.memory_space<hbm>>) dst(%arg8 : memref<128x128xf32, #tpu.memory_space<vmem>>)
      %parallel_loop3A_114 = arith.constant 0 : i32
      %parallel_loop3A_115 = arith.constant 128 : i32
      %parallel_loop3A_116 = arith.constant 1 : i32
      scf.for %parallel_loop3A_151 = %parallel_loop3A_114 to %parallel_loop3A_115 step %parallel_loop3A_116  : i32 {
        %parallel_loop3A_152 = arith.index_cast %parallel_loop3A_151 : i32 to index
        %parallel_loop3A_153 = arith.constant 0 : index
        %parallel_loop3A_154 = tpu.vector_load %arg8[%parallel_loop3A_152, %parallel_loop3A_153] {strides = array<i32>} : memref<128x128xf32, #tpu.memory_space<vmem>>, vector<1x16xf32>,
        %parallel_loop3A_155 = vector.shape_cast %parallel_loop3A_154 : vector<1x16xf32> to vector<16xf32>
        %parallel_loop3A_156 = arith.constant 8.000000e+00 : f32
        %parallel_loop3A_157 = vector.broadcast %parallel_loop3A_156 : f32 to vector<16xf32>
        %parallel_loop3A_158 = arith.mulf %parallel_loop3A_155, %parallel_loop3A_157 : vector<16xf32>
        %parallel_loop3A_159 = arith.index_cast %parallel_loop3A_151 : i32 to index
        %parallel_loop3A_160 = arith.constant 0 : index
        %parallel_loop3A_161 = tpu.vector_load %arg8[%parallel_loop3A_159, %parallel_loop3A_160] {strides = array<i32>} : memref<128x128xf32, #tpu.memory_space<vmem>>, vector<1x16xf32>,
        %parallel_loop3A_162 = vector.shape_cast %parallel_loop3A_161 : vector<1x16xf32> to vector<16xf32>
        %parallel_loop3A_163 = vector.shape_cast %parallel_loop3A_158 : vector<16xf32> to vector<1x16xf32>
        tpu.vector_store %arg8[%parallel_loop3A_159, %parallel_loop3A_160], %parallel_loop3A_163 {strides = array<i32>} : memref<128x128xf32, #tpu.memory_space<vmem>>, vector<1x16xf32>,
        %parallel_loop3A_164 = arith.index_cast %parallel_loop3A_151 : i32 to index
        %parallel_loop3A_165 = arith.constant 16 : index
        %parallel_loop3A_166 = tpu.vector_load %arg8[%parallel_loop3A_164, %parallel_loop3A_165] {strides = array<i32>} : memref<128x128xf32, #tpu.memory_space<vmem>>, vector<1x16xf32>,
        %parallel_loop3A_167 = vector.shape_cast %parallel_loop3A_166 : vector<1x16xf32> to vector<16xf32>
        %parallel_loop3A_168 = arith.constant 8.000000e+00 : f32
        %parallel_loop3A_169 = vector.broadcast %parallel_loop3A_168 : f32 to vector<16xf32>
        %parallel_loop3A_170 = arith.mulf %parallel_loop3A_167, %parallel_loop3A_169 : vector<16xf32>
        %parallel_loop3A_171 = arith.index_cast %parallel_loop3A_151 : i32 to index
        %parallel_loop3A_172 = arith.constant 16 : index
        %parallel_loop3A_173 = tpu.vector_load %arg8[%parallel_loop3A_171, %parallel_loop3A_172] {strides = array<i32>} : memref<128x128xf32, #tpu.memory_space<vmem>>, vector<1x16xf32>,
        %parallel_loop3A_174 = vector.shape_cast %parallel_loop3A_173 : vector<1x16xf32> to vector<16xf32>
        %parallel_loop3A_175 = vector.shape_cast %parallel_loop3A_170 : vector<16xf32> to vector<1x16xf32>
        tpu.vector_store %arg8[%parallel_loop3A_171, %parallel_loop3A_172], %parallel_loop3A_175 {strides = array<i32>} : memref<128x128xf32, #tpu.memory_space<vmem>>, vector<1x16xf32>,
        %parallel_loop3A_176 = arith.index_cast %parallel_loop3A_151 : i32 to index
        %parallel_loop3A_177 = arith.constant 32 : index
        %parallel_loop3A_178 = tpu.vector_load %arg8[%parallel_loop3A_176, %parallel_loop3A_177] {strides = array<i32>} : memref<128x128xf32, #tpu.memory_space<vmem>>, vector<1x16xf32>,
        %parallel_loop3A_179 = vector.shape_cast %parallel_loop3A_178 : vector<1x16xf32> to vector<16xf32>
        %parallel_loop3A_180 = arith.constant 8.000000e+00 : f32
        %parallel_loop3A_181 = vector.broadcast %parallel_loop3A_180 : f32 to vector<16xf32>
        %parallel_loop3A_182 = arith.mulf %parallel_loop3A_179, %parallel_loop3A_181 : vector<16xf32>
        %parallel_loop3A_183 = arith.index_cast %parallel_loop3A_151 : i32 to index
        %parallel_loop3A_184 = arith.constant 32 : index
        %parallel_loop3A_185 = tpu.vector_load %arg8[%parallel_loop3A_183, %parallel_loop3A_184] {strides = array<i32>} : memref<128x128xf32, #tpu.memory_space<vmem>>, vector<1x16xf32>,
        %parallel_loop3A_186 = vector.shape_cast %parallel_loop3A_185 : vector<1x16xf32> to vector<16xf32>
        %parallel_loop3A_187 = vector.shape_cast %parallel_loop3A_182 : vector<16xf32> to vector<1x16xf32>
        tpu.vector_store %arg8[%parallel_loop3A_183, %parallel_loop3A_184], %parallel_loop3A_187 {strides = array<i32>} : memref<128x128xf32, #tpu.memory_space<vmem>>, vector<1x16xf32>,
        %parallel_loop3A_188 = arith.index_cast %parallel_loop3A_151 : i32 to index
        %parallel_loop3A_189 = arith.constant 48 : index
        %parallel_loop3A_190 = tpu.vector_load %arg8[%parallel_loop3A_188, %parallel_loop3A_189] {strides = array<i32>} : memref<128x128xf32, #tpu.memory_space<vmem>>, vector<1x16xf32>,
        %parallel_loop3A_191 = vector.shape_cast %parallel_loop3A_190 : vector<1x16xf32> to vector<16xf32>
        %parallel_loop3A_192 = arith.constant 8.000000e+00 : f32
        %parallel_loop3A_193 = vector.broadcast %parallel_loop3A_192 : f32 to vector<16xf32>
        %parallel_loop3A_194 = arith.mulf %parallel_loop3A_191, %parallel_loop3A_193 : vector<16xf32>
        %parallel_loop3A_195 = arith.index_cast %parallel_loop3A_151 : i32 to index
        %parallel_loop3A_196 = arith.constant 48 : index
        %parallel_loop3A_197 = tpu.vector_load %arg8[%parallel_loop3A_195, %parallel_loop3A_196] {strides = array<i32>} : memref<128x128xf32, #tpu.memory_space<vmem>>, vector<1x16xf32>,
        %parallel_loop3A_198 = vector.shape_cast %parallel_loop3A_197 : vector<1x16xf32> to vector<16xf32>
        %parallel_loop3A_199 = vector.shape_cast %parallel_loop3A_194 : vector<16xf32> to vector<1x16xf32>
        tpu.vector_store %arg8[%parallel_loop3A_195, %parallel_loop3A_196], %parallel_loop3A_199 {strides = array<i32>} : memref<128x128xf32, #tpu.memory_space<vmem>>, vector<1x16xf32>,
      } {sc.loop_unroll_factor = 8 : i64, sc.parallel_access}
      %mul3A_117 = arith.constant 128 : i32
      %mul3A_118 = arith.muli %add3A_100, %mul3A_117 : i32
      %add3A_119 = arith.addi %mul3A_2, %mul3A_118 : i32
      %dma_start3A_120 = arith.constant 0 : i32
      %dma_start3A_121 = tpu.memref_slice %arg4[%add3A_119, %dma_start3A_120] : memref<819200x128xf32, #tpu.memory_space<hbm>> -> memref<128x128xf32, #tpu.memory_space<hbm>>
      %dma_start3A_122 = arith.constant 0 : i32
      %dma_start3A_123 = tpu.memref_slice %arg4[%add3A_119, %dma_start3A_122] : memref<819200x128xf32, #tpu.memory_space<hbm>> -> memref<128x128xf32, #tpu.memory_space<hbm>>
      tpu.enqueue_dma source(%arg8 : memref<128x128xf32, #tpu.memory_space<vmem>>) target(%dma_start3A_123 : memref<128x128xf32, #tpu.memory_space<hbm>>) target_semaphore(%arg16 : memref<!tpu.dma_semaphore, #tpu.memory_space<semaphore_mem>>)
      %mul3A_124 = arith.constant 4 : i32
      %mul3A_125 = arith.muli %scan3A_46, %mul3A_124 : i32
      %add3A_126 = arith.constant 3 : i32
      %add3A_127 = arith.addi %mul3A_125, %add3A_126 : i32
      %add3A_128 = arith.constant 2 : i32
      %add3A_129 = arith.addi %add3A_127, %add3A_128 : i32
      %lt3A_130 = arith.constant 200 : i32
      %lt3A_131 = arith.cmpi slt, %add3A_129, %lt3A_130 : i32
      %convert_element_type3A_132 = arith.extui %lt3A_131 : i1 to i32
      %cond3A_133 = arith.constant 0 : i32
      %cond3A_134 = arith.cmpi ne, %convert_element_type3A_132, %cond3A_133 : i32
      scf.if %cond3A_134 {
        %ge3A = arith.constant 2 : i32
        %ge3A_151 = arith.cmpi sge, %add3A_127, %ge3A : i32
        %convert_element_type3A_152 = arith.extui %ge3A_151 : i1 to i32
        %cond3A_153 = arith.constant 0 : i32
        %cond3A_154 = arith.cmpi ne, %convert_element_type3A_152, %cond3A_153 : i32
        scf.if %cond3A_154 {
          %dma_wait3A_163 = arith.constant 0 : i32
          %dma_wait3A_164 = arith.constant 0 : i32
          %dma_wait3A_165 = tpu.memref_slice %arg2[%dma_wait3A_163, %dma_wait3A_164] : memref<1000000x128xf32, #tpu.memory_space<hbm>> -> memref<128x128xf32, #tpu.memory_space<hbm>>
          %dma_wait3A_166 = arith.constant 0 : i32
          %dma_wait3A_167 = arith.constant 0 : i32
          %dma_wait3A_168 = tpu.memref_slice %arg2[%dma_wait3A_166, %dma_wait3A_167] : memref<1000000x128xf32, #tpu.memory_space<hbm>> -> memref<128x128xf32, #tpu.memory_space<hbm>>
          tpu.wait_dma2 semaphore(%arg15 : memref<!tpu.dma_semaphore, #tpu.memory_space<semaphore_mem>>) src(%dma_wait3A_168 : memref<128x128xf32, #tpu.memory_space<hbm>>) dst(%arg7 : memref<128x128xf32, #tpu.memory_space<vmem>>)
        } else {
        }
        %add3A_155 = arith.constant 2 : i32
        %add3A_156 = arith.addi %add3A_127, %add3A_155 : i32
        %dma_start3A_157 = arith.constant 0 : i32
        %dma_start3A_158 = tpu.memref_slice %arg5[%add3A_156, %dma_start3A_157] : memref<200x128xi32, #tpu.memory_space<vmem>> -> memref<1x128xi32, #tpu.memory_space<vmem>>
        %dma_start3A_159 = tpu.memref_squeeze %dma_start3A_158 : memref<1x128xi32, #tpu.memory_space<vmem>> -> memref<128xi32, #tpu.memory_space<vmem>>
        %dma_start3A_160 = arith.constant 0 : i32
        %dma_start3A_161 = arith.constant 0 : i32
        %dma_start3A_162 = tpu.memref_slice %arg2[%dma_start3A_160, %dma_start3A_161] : memref<1000000x128xf32, #tpu.memory_space<hbm>> -> memref<1000000x128xf32, #tpu.memory_space<hbm>>
        tpu.enqueue_indirect_dma source(%dma_start3A_162 : memref<1000000x128xf32, #tpu.memory_space<hbm>>) target(%arg7 : memref<128x128xf32, #tpu.memory_space<vmem>>) offsets(%dma_start3A_159 : memref<128xi32, #tpu.memory_space<vmem>>) semaphore(%arg11 : memref<!tpu.dma_semaphore, #tpu.memory_space<semaphore_mem>>)
      } else {
      }
      %dma_wait3A_135 = arith.constant 0 : i32
      %dma_wait3A_136 = arith.constant 0 : i32
      %dma_wait3A_137 = tpu.memref_slice %arg2[%dma_wait3A_135, %dma_wait3A_136] : memref<1000000x128xf32, #tpu.memory_space<hbm>> -> memref<128x128xf32, #tpu.memory_space<hbm>>
      %dma_wait3A_138 = arith.constant 0 : i32
      %dma_wait3A_139 = arith.constant 0 : i32
      %dma_wait3A_140 = tpu.memref_slice %arg2[%dma_wait3A_138, %dma_wait3A_139] : memref<1000000x128xf32, #tpu.memory_space<hbm>> -> memref<128x128xf32, #tpu.memory_space<hbm>>
      tpu.wait_dma2 semaphore(%arg13 : memref<!tpu.dma_semaphore, #tpu.memory_space<semaphore_mem>>) src(%dma_wait3A_140 : memref<128x128xf32, #tpu.memory_space<hbm>>) dst(%arg9 : memref<128x128xf32, #tpu.memory_space<vmem>>)
      %parallel_loop3A_141 = arith.constant 0 : i32
      %parallel_loop3A_142 = arith.constant 128 : i32
      %parallel_loop3A_143 = arith.constant 1 : i32
      scf.for %parallel_loop3A_151 = %parallel_loop3A_141 to %parallel_loop3A_142 step %parallel_loop3A_143  : i32 {
        %parallel_loop3A_152 = arith.index_cast %parallel_loop3A_151 : i32 to index
        %parallel_loop3A_153 = arith.constant 0 : index
        %parallel_loop3A_154 = tpu.vector_load %arg9[%parallel_loop3A_152, %parallel_loop3A_153] {strides = array<i32>} : memref<128x128xf32, #tpu.memory_space<vmem>>, vector<1x16xf32>,
        %parallel_loop3A_155 = vector.shape_cast %parallel_loop3A_154 : vector<1x16xf32> to vector<16xf32>
        %parallel_loop3A_156 = arith.constant 8.000000e+00 : f32
        %parallel_loop3A_157 = vector.broadcast %parallel_loop3A_156 : f32 to vector<16xf32>
        %parallel_loop3A_158 = arith.mulf %parallel_loop3A_155, %parallel_loop3A_157 : vector<16xf32>
        %parallel_loop3A_159 = arith.index_cast %parallel_loop3A_151 : i32 to index
        %parallel_loop3A_160 = arith.constant 0 : index
        %parallel_loop3A_161 = tpu.vector_load %arg9[%parallel_loop3A_159, %parallel_loop3A_160] {strides = array<i32>} : memref<128x128xf32, #tpu.memory_space<vmem>>, vector<1x16xf32>,
        %parallel_loop3A_162 = vector.shape_cast %parallel_loop3A_161 : vector<1x16xf32> to vector<16xf32>
        %parallel_loop3A_163 = vector.shape_cast %parallel_loop3A_158 : vector<16xf32> to vector<1x16xf32>
        tpu.vector_store %arg9[%parallel_loop3A_159, %parallel_loop3A_160], %parallel_loop3A_163 {strides = array<i32>} : memref<128x128xf32, #tpu.memory_space<vmem>>, vector<1x16xf32>,
        %parallel_loop3A_164 = arith.index_cast %parallel_loop3A_151 : i32 to index
        %parallel_loop3A_165 = arith.constant 16 : index
        %parallel_loop3A_166 = tpu.vector_load %arg9[%parallel_loop3A_164, %parallel_loop3A_165] {strides = array<i32>} : memref<128x128xf32, #tpu.memory_space<vmem>>, vector<1x16xf32>,
        %parallel_loop3A_167 = vector.shape_cast %parallel_loop3A_166 : vector<1x16xf32> to vector<16xf32>
        %parallel_loop3A_168 = arith.constant 8.000000e+00 : f32
        %parallel_loop3A_169 = vector.broadcast %parallel_loop3A_168 : f32 to vector<16xf32>
        %parallel_loop3A_170 = arith.mulf %parallel_loop3A_167, %parallel_loop3A_169 : vector<16xf32>
        %parallel_loop3A_171 = arith.index_cast %parallel_loop3A_151 : i32 to index
        %parallel_loop3A_172 = arith.constant 16 : index
        %parallel_loop3A_173 = tpu.vector_load %arg9[%parallel_loop3A_171, %parallel_loop3A_172] {strides = array<i32>} : memref<128x128xf32, #tpu.memory_space<vmem>>, vector<1x16xf32>,
        %parallel_loop3A_174 = vector.shape_cast %parallel_loop3A_173 : vector<1x16xf32> to vector<16xf32>
        %parallel_loop3A_175 = vector.shape_cast %parallel_loop3A_170 : vector<16xf32> to vector<1x16xf32>
        tpu.vector_store %arg9[%parallel_loop3A_171, %parallel_loop3A_172], %parallel_loop3A_175 {strides = array<i32>} : memref<128x128xf32, #tpu.memory_space<vmem>>, vector<1x16xf32>,
        %parallel_loop3A_176 = arith.index_cast %parallel_loop3A_151 : i32 to index
        %parallel_loop3A_177 = arith.constant 32 : index
        %parallel_loop3A_178 = tpu.vector_load %arg9[%parallel_loop3A_176, %parallel_loop3A_177] {strides = array<i32>} : memref<128x128xf32, #tpu.memory_space<vmem>>, vector<1x16xf32>,
        %parallel_loop3A_179 = vector.shape_cast %parallel_loop3A_178 : vector<1x16xf32> to vector<16xf32>
        %parallel_loop3A_180 = arith.constant 8.000000e+00 : f32
        %parallel_loop3A_181 = vector.broadcast %parallel_loop3A_180 : f32 to vector<16xf32>
        %parallel_loop3A_182 = arith.mulf %parallel_loop3A_179, %parallel_loop3A_181 : vector<16xf32>
        %parallel_loop3A_183 = arith.index_cast %parallel_loop3A_151 : i32 to index
        %parallel_loop3A_184 = arith.constant 32 : index
        %parallel_loop3A_185 = tpu.vector_load %arg9[%parallel_loop3A_183, %parallel_loop3A_184] {strides = array<i32>} : memref<128x128xf32, #tpu.memory_space<vmem>>, vector<1x16xf32>,
        %parallel_loop3A_186 = vector.shape_cast %parallel_loop3A_185 : vector<1x16xf32> to vector<16xf32>
        %parallel_loop3A_187 = vector.shape_cast %parallel_loop3A_182 : vector<16xf32> to vector<1x16xf32>
        tpu.vector_store %arg9[%parallel_loop3A_183, %parallel_loop3A_184], %parallel_loop3A_187 {strides = array<i32>} : memref<128x128xf32, #tpu.memory_space<vmem>>, vector<1x16xf32>,
        %parallel_loop3A_188 = arith.index_cast %parallel_loop3A_151 : i32 to index
        %parallel_loop3A_189 = arith.constant 48 : index
        %parallel_loop3A_190 = tpu.vector_load %arg9[%parallel_loop3A_188, %parallel_loop3A_189] {strides = array<i32>} : memref<128x128xf32, #tpu.memory_space<vmem>>, vector<1x16xf32>,
        %parallel_loop3A_191 = vector.shape_cast %parallel_loop3A_190 : vector<1x16xf32> to vector<16xf32>
        %parallel_loop3A_192 = arith.constant 8.000000e+00 : f32
        %parallel_loop3A_193 = vector.broadcast %parallel_loop3A_192 : f32 to vector<16xf32>
        %parallel_loop3A_194 = arith.mulf %parallel_loop3A_191, %parallel_loop3A_193 : vector<16xf32>
        %parallel_loop3A_195 = arith.index_cast %parallel_loop3A_151 : i32 to index
        %parallel_loop3A_196 = arith.constant 48 : index
        %parallel_loop3A_197 = tpu.vector_load %arg9[%parallel_loop3A_195, %parallel_loop3A_196] {strides = array<i32>} : memref<128x128xf32, #tpu.memory_space<vmem>>, vector<1x16xf32>,
        %parallel_loop3A_198 = vector.shape_cast %parallel_loop3A_197 : vector<1x16xf32> to vector<16xf32>
        %parallel_loop3A_199 = vector.shape_cast %parallel_loop3A_194 : vector<16xf32> to vector<1x16xf32>
        tpu.vector_store %arg9[%parallel_loop3A_195, %parallel_loop3A_196], %parallel_loop3A_199 {strides = array<i32>} : memref<128x128xf32, #tpu.memory_space<vmem>>, vector<1x16xf32>,
      } {sc.loop_unroll_factor = 8 : i64, sc.parallel_access}
      %mul3A_144 = arith.constant 128 : i32
      %mul3A_145 = arith.muli %add3A_127, %mul3A_144 : i32
      %add3A_146 = arith.addi %mul3A_2, %mul3A_145 : i32
      %dma_start3A_147 = arith.constant 0 : i32
      %dma_start3A_148 = tpu.memref_slice %arg4[%add3A_146, %dma_start3A_147] : memref<819200x128xf32, #tpu.memory_space<hbm>> -> memref<128x128xf32, #tpu.memory_space<hbm>>
      %dma_start3A_149 = arith.constant 0 : i32
      %dma_start3A_150 = tpu.memref_slice %arg4[%add3A_146, %dma_start3A_149] : memref<819200x128xf32, #tpu.memory_space<hbm>> -> memref<128x128xf32, #tpu.memory_space<hbm>>
      tpu.enqueue_dma source(%arg9 : memref<128x128xf32, #tpu.memory_space<vmem>>) target(%dma_start3A_150 : memref<128x128xf32, #tpu.memory_space<hbm>>) target_semaphore(%arg17 : memref<!tpu.dma_semaphore, #tpu.memory_space<semaphore_mem>>)
    }
    %scan3A_22 = arith.constant 50 : i32
    %dma_wait3A = arith.constant 0 : i32
    %dma_wait3A_23 = arith.constant 0 : i32
    %dma_wait3A_24 = tpu.memref_slice %arg2[%dma_wait3A, %dma_wait3A_23] : memref<1000000x128xf32, #tpu.memory_space<hbm>> -> memref<128x128xf32, #tpu.memory_space<hbm>>
    %dma_wait3A_25 = arith.constant 0 : i32
    %dma_wait3A_26 = arith.constant 0 : i32
    %dma_wait3A_27 = tpu.memref_slice %arg2[%dma_wait3A_25, %dma_wait3A_26] : memref<1000000x128xf32, #tpu.memory_space<hbm>> -> memref<128x128xf32, #tpu.memory_space<hbm>>
    tpu.wait_dma2 semaphore(%arg14 : memref<!tpu.dma_semaphore, #tpu.memory_space<semaphore_mem>>) src(%dma_wait3A_27 : memref<128x128xf32, #tpu.memory_space<hbm>>) dst(%arg6 : memref<128x128xf32, #tpu.memory_space<vmem>>)
    %dma_wait3A_28 = arith.constant 0 : i32
    %dma_wait3A_29 = arith.constant 0 : i32
    %dma_wait3A_30 = tpu.memref_slice %arg2[%dma_wait3A_28, %dma_wait3A_29] : memref<1000000x128xf32, #tpu.memory_space<hbm>> -> memref<128x128xf32, #tpu.memory_space<hbm>>
    %dma_wait3A_31 = arith.constant 0 : i32
    %dma_wait3A_32 = arith.constant 0 : i32
    %dma_wait3A_33 = tpu.memref_slice %arg2[%dma_wait3A_31, %dma_wait3A_32] : memref<1000000x128xf32, #tpu.memory_space<hbm>> -> memref<128x128xf32, #tpu.memory_space<hbm>>
    tpu.wait_dma2 semaphore(%arg15 : memref<!tpu.dma_semaphore, #tpu.memory_space<semaphore_mem>>) src(%dma_wait3A_33 : memref<128x128xf32, #tpu.memory_space<hbm>>) dst(%arg7 : memref<128x128xf32, #tpu.memory_space<vmem>>)
    %dma_wait3A_34 = arith.constant 0 : i32
    %dma_wait3A_35 = arith.constant 0 : i32
    %dma_wait3A_36 = tpu.memref_slice %arg2[%dma_wait3A_34, %dma_wait3A_35] : memref<1000000x128xf32, #tpu.memory_space<hbm>> -> memref<128x128xf32, #tpu.memory_space<hbm>>
    %dma_wait3A_37 = arith.constant 0 : i32
    %dma_wait3A_38 = arith.constant 0 : i32
    %dma_wait3A_39 = tpu.memref_slice %arg2[%dma_wait3A_37, %dma_wait3A_38] : memref<1000000x128xf32, #tpu.memory_space<hbm>> -> memref<128x128xf32, #tpu.memory_space<hbm>>
    tpu.wait_dma2 semaphore(%arg16 : memref<!tpu.dma_semaphore, #tpu.memory_space<semaphore_mem>>) src(%dma_wait3A_39 : memref<128x128xf32, #tpu.memory_space<hbm>>) dst(%arg8 : memref<128x128xf32, #tpu.memory_space<vmem>>)
    %dma_wait3A_40 = arith.constant 0 : i32
    %dma_wait3A_41 = arith.constant 0 : i32
    %dma_wait3A_42 = tpu.memref_slice %arg2[%dma_wait3A_40, %dma_wait3A_41] : memref<1000000x128xf32, #tpu.memory_space<hbm>> -> memref<128x128xf32, #tpu.memory_space<hbm>>
    %dma_wait3A_43 = arith.constant 0 : i32
    %dma_wait3A_44 = arith.constant 0 : i32
    %dma_wait3A_45 = tpu.memref_slice %arg2[%dma_wait3A_43, %dma_wait3A_44] : memref<1000000x128xf32, #tpu.memory_space<hbm>> -> memref<128x128xf32, #tpu.memory_space<hbm>>
    tpu.wait_dma2 semaphore(%arg17 : memref<!tpu.dma_semaphore, #tpu.memory_space<semaphore_mem>>) src(%dma_wait3A_45 : memref<128x128xf32, #tpu.memory_space<hbm>>) dst(%arg9 : memref<128x128xf32, #tpu.memory_space<vmem>>)
    return
  }
}

</mosaic_0001>

<sc_bundles>
// kernel: kernel.3.cloned.1.call-start
scs
__scs_entry_jumppad:
0x0: {  	(pc) =	sbr.rel $0x88, $3  }
0x1: {  	(tag) =	ssettag $0x0;
	lr =	simm.s32 $0x1  }
0x2: {  	[smem:$0x3F9F] =	sst lr;
	_ =	strace $0xD0000000  }
0x3: {  	_ = 	snop  }
0x4: {  	_ = 	snop  }
0x5: {  	_ = 	snop  }
0x6: {  	_ = 	snop  }
0x7: {  	_ = 	snop  }
__scs_overlays_trampoline_lowered:
0x8: {  	[smem:$0x3FAE] =	sst s0  }
0x9: {  	[smem:$0x3FAF] =	sst s1  }
0xa: {  	[smem:$0x3FB0] =	sst s2  }
0xb: {  	[smem:$0x3FB1] =	sst s3  }
0xc: {  	[smem:$0x3FB2] =	sst s4  }
0xd: {  	[smem:$0x3FB3] =	sst s5  }
0xe: {  	[smem:$0x3FB4] =	sst s6  }
0xf: {  	[smem:$0x3FB5] =	sst s7  }
0x10: {  	[smem:$0x3FB6] =	sst s8  }
0x11: {  	[smem:$0x3FB7] =	sst s9;
	s0 =	simm.s32 @!p0 $0x0  }
0x12: {  	s1 =	sld [smem:$0x3F9D];
	s0 =	simm.s32 @p0 $0x1  }
0x13: {  	[smem:$0x3FB8] =	sst s0;
	s0 =	simm.s32 @!p1 $0x0  }
0x14: {  	s2 =	sld [smem:$0x3F9C];
	s0 =	simm.s32 @p1 $0x1  }
0x15: {  	[smem:$0x3FB9] =	sst s0;
	s0 =	simm.s32 @!p2 $0x0  }
0x16: {  	s3 =	sld [smem:$0x3FDB];
	s0 =	simm.s32 @p2 $0x1  }
0x17: {  	s4 =	simm.s32 $0x1BF5;
	[smem:$0x3FBB] =	sst s0  }
0x18: {  	s0 =	sld [smem:$0x3F9E];
	_ =	swait.ge [sflag:s4], $0x0  }
0x19: {  	s7 =	sld [smem:$0x3F9F]  }
0x1a: {  	s8 =	sadd.s32 $0xFFFFE003, lr  }
0x1b: {  	s9 =	sadd.s32 $0xFFFFFEF7, lr;
	s5 =	simm.s32 $0xFFFFFFFF;
	p2 =	slt.u32 s8, $0xFFFFF086  }
0x1c: {  	p1 =	slt.u32 s9, $0xF7A;
	s5 =	simm.s32 @!p2 $0x0  }
0x1d: {  	s5 =	simm.s32 @p1 $0x1;
	p0 =	seq.s32 s7, s2  }
0x1e: {  	s7 =	smul.u32 @!p0 $0xF7A, s2;
	p2 =	seq.s32 @!p0 s5, $0x0  }
0x1f: {  	s9 =	smul.u32 $0xF7A, s1;
	s8 =	simm.s32 @!p0 $0x1BF5;
	p2 =	por !p2, p0  }
0x20: {  	[sflag:s8] =	ssyncset.s32 @!p0 $0xFFFFF086;
	s6 =	sadd.s32 @!p0 s3, s7;
	s7 =	simm.s32 @!p0 $0x108  }
0x21: {  	s3 =	sadd.s32 s3, s9;
	s6 =	sadd.s32 @!p0 $0x88, s6;
	s7 =	simm.s32 @p2 $0x1082  }
0x22: {  	[simem:s7], [sflag:s8] =	dma.local @!p0 [hbm:s6], $0xF7A  }
0x23: {  	s9 =	sor.u32 $0xD0000000, s2;
	s6 =	simm.s32 $0x108;
	_ =	swait.ge @!p0 [sflag:s8], $0x0  }
0x24: {  	s3 =	sadd.s32 $0x88, s3;
	s6 =	simm.s32 @!p1 $0x1082;
	[sflag:s4] =	ssyncset.s32 $0xFFFFF086  }
0x25: {  	[simem:s6], [sflag:s4] =	dma.local [hbm:s3], $0xF7A  }
0x26: {  	[smem:$0x3F9F] =	sst s1;
	(tag) =	ssettag s2;
	_ =	strace s9  }
0x27: {  	s1 =	sld [smem:$0x3FAF]  }
0x28: {  	s2 =	sld [smem:$0x3FB0]  }
0x29: {  	s4 =	sld [smem:$0x3FB2]  }
0x2a: {  	p0 =	seq.s32 s5, $0x0;
	s5 =	sld [smem:$0x3FB3]  }
0x2b: {  	s6 =	sld [smem:$0x3FB4]  }
0x2c: {  	s7 =	sld [smem:$0x3FB5]  }
0x2d: {  	s3 =	simm.s32 $0x108;
	s8 =	sld [smem:$0x3FB6]  }
0x2e: {  	s3 =	simm.s32 @!p0 $0x1082;
	s9 =	sld [smem:$0x3FB7]  }
0x2f: {  	lr =	sadd.s32 s0, s3;
	s0 =	sld [smem:$0x3FAE]  }
0x30: {  	s3 =	sld [smem:$0x3FB1]  }
0x31: {  	[smem:$0x3FBA] =	sst s10  }
0x32: {  	s10 =	sld [smem:$0x3FB8];
	_ =	sdelay $0x3  }
0x33: {  	p0 =	seq.s32 s10, $0x1;
	s10 =	sld [smem:$0x3FBA];
	_ =	sdelay $0x3  }
0x34: {  	[smem:$0x3FBA] =	sst s10  }
0x35: {  	s10 =	sld [smem:$0x3FB9];
	_ =	sdelay $0x3  }
0x36: {  	p1 =	seq.s32 s10, $0x1;
	s10 =	sld [smem:$0x3FBA];
	_ =	sdelay $0x3  }
0x37: {  	[smem:$0x3FBA] =	sst s10  }
0x38: {  	s10 =	sld [smem:$0x3FBB]  }
0x39: {  	_ = 	snop;
	(pc) =	sbr.ind lr, $3  }
0x3a: {  	_ = 	snop  }
0x3b: {  	_ = 	snop  }
0x3c: {  	p2 =	seq.s32 s10, $0x1;
	s10 =	sld [smem:$0x3FBA]  }
0x3d: {  	_ =	shalt  }
0x3e: {  	_ =	shalt  }
0x3f: {  	_ =	shalt  }
0x40: {  	_ =	shalt  }
0x41: {  	_ =	shalt  }
0x42: {  	_ =	shalt  }
0x43: {  	_ =	shalt  }
0x44: {  	_ =	shalt  }
0x45: {  	_ =	shalt  }
0x46: {  	_ =	shalt  }
0x47: {  	_ =	shalt  }
0x48: {  	_ =	shalt  }
0x49: {  	_ =	shalt  }
0x4a: {  	_ =	shalt  }
0x4b: {  	_ =	shalt  }
0x4c: {  	_ =	shalt  }
0x4d: {  	_ =	shalt  }
0x4e: {  	_ =	shalt  }
0x4f: {  	_ =	shalt  }
0x50: {  	_ =	shalt  }
0x51: {  	_ =	shalt  }
0x52: {  	_ =	shalt  }
0x53: {  	_ =	shalt  }
0x54: {  	_ =	shalt  }
0x55: {  	_ =	shalt  }
0x56: {  	_ =	shalt  }
0x57: {  	_ =	shalt  }
0x58: {  	_ =	shalt  }
0x59: {  	_ =	shalt  }
0x5a: {  	_ =	shalt  }
0x5b: {  	_ =	shalt  }
0x5c: {  	_ =	shalt  }
0x5d: {  	_ =	shalt  }
0x5e: {  	_ =	shalt  }
0x5f: {  	_ =	shalt  }
0x60: {  	_ =	shalt  }
0x61: {  	_ =	shalt  }
0x62: {  	_ =	shalt  }
0x63: {  	_ =	shalt  }
0x64: {  	_ =	shalt  }
0x65: {  	_ =	shalt  }
0x66: {  	_ =	shalt  }
0x67: {  	_ =	shalt  }
0x68: {  	_ =	shalt  }
0x69: {  	_ =	shalt  }
0x6a: {  	_ =	shalt  }
0x6b: {  	_ =	shalt  }
0x6c: {  	_ =	shalt  }
0x6d: {  	_ =	shalt  }
0x6e: {  	_ =	shalt  }
0x6f: {  	_ =	shalt  }
0x70: {  	_ =	shalt  }
0x71: {  	_ =	shalt  }
0x72: {  	_ =	shalt  }
0x73: {  	_ =	shalt  }
0x74: {  	_ =	shalt  }
0x75: {  	_ =	shalt  }
0x76: {  	_ =	shalt  }
0x77: {  	_ =	shalt  }
0x78: {  	_ =	shalt  }
0x79: {  	_ =	shalt  }
0x7a: {  	_ =	shalt  }
0x7b: {  	_ =	shalt  }
0x7c: {  	_ =	shalt  }
0x7d: {  	_ =	shalt  }
0x7e: {  	_ =	shalt  }
0x7f: {  	_ =	shalt  }
0x80: {  	_ =	shalt  }
0x81: {  	_ =	shalt  }
0x82: {  	_ =	shalt  }
0x83: {  	_ =	shalt  }
0x84: {  	_ =	shalt  }
0x85: {  	_ =	shalt  }
0x86: {  	_ =	shalt  }
0x87: {  	_ =	shalt  }
.Lfunc_end0:
.L_simem_size_0:
called_computation.1_lowered:
.L_overlay_start_0:
0x88: {  	s2 =	sld [smem:$0x3FD9]  }
0x89: {  	s3 =	sld [smem:$0x3FFE];
	_ =	sdelay $0x1  }
0x8a: {  	s1 =	srdreg.scid  }
0x8b: {  	s0 =	sand.u32 $0x1, s1  }
0x8c: {  	s17 =	sshll.u32 s0, $0xA;
	s2 =	sadd.s32 s3, s2  }
0x8d: {  	s2 =	sadd.s32 s2, s17  }
0x8e: {  	[smem:$0x3FC6] =	sst s2  }
0x8f: {  	_ = 	snop  }
0x90: {  	s2 =	sld [smem:$0x3FD0];
	(tm) =	ssettm $0x1  }
0x91: {  	s18 =	sld [smem:$0x3FFB];
	_ =	sdelay $0x3  }
0x92: {  	_ =	strace s18  }
0x93: {  	s3 =	sld [smem:$0x3FFC];
	_ =	sdelay $0x3  }
0x94: {  	_ =	strace s3  }
0x95: {  	s3 =	sld [smem:$0x3FFD];
	_ =	sdelay $0x3  }
0x96: {  	_ =	strace s3  }
0x97: {  	_ =	strace $0x8FFFFFFF  }
0x98: {  	s19 =	sld [smem:$0x3FDB];
	_ =	sdelay $0x1  }
0x99: {  	s4 =	simm.s32 $_scs_section_size  }
0x9a: {  	s5 =	simm.s32 $_size__tile_overlayer_lowered;
	s6 =	simm.s32 $_tile_overlayer_lowered  }
0x9b: {  	s22 =	simm.s32 $0x1BFF;
	s21 =	sshll.u32 s6, $0x1;
	s3 =	sadd.s32 s4, s19  }
0x9c: {  	s7 =	simm.s32 $0x0;
	s20 =	sshll.u32 s5, $0x1;
	s5 =	sadd.s32 s21, s3  }
0x9d: {  	[timem:s7], [sflag:s22] =	dma.local [hbm:s5], s20  }
0x9e: {  	_ =	swait.ge [sflag:s22], s20  }
0x9f: {  	s4 =	ssub.s32 $0x0, s20;
	[sflag:s22] =	ssyncset.done $0x0  }
0xa0: {  	[sflag:s22] =	ssyncadd.s32 s4;
	_ =	sdelay $0x1  }
0xa1: {  	s23 =	simm.s32 $0x1B8B  }
0xa2: {  	_ =	swait.ge [sflag:s23], $0x1  }
0xa3: {  	[sflag:s23] =	ssyncset.done $0x0  }
0xa4: {  	s25 =	simm.s32 $0x1B8E;
	s24 =	sld [smem:$0x3FFE];
	[sflag:s23] =	ssyncadd.s32 $0xFFFFFFFF  }
0xa5: {  	s26 =	simm.s32 $execute0_lowered;
	[smem:$0x3FD2] =	sst s25  }
0xa6: {  	s5 =	sshll.u32 s26, $0x1;
	_ =	strace $0x80000046;
	[dreg:$0x1] =	wrdreg $0xFFFFFFFF  }
0xa7: {  	s28 =	simm.s32 $_size_execute0_lowered;
	s3 =	sadd.s32 s3, s5;
	[dreg:$0x0] =	wrdreg $0x0  }
0xa8: {  	s5 =	sshll.u32 s28, $0x1;
	[dreg:$0x2] =	wrdreg s3  }
0xa9: {  	[dreg:$0x3] =	wrdreg s5  }
0xaa: {  	[dreg:$0x4] =	wrdreg $0xC0  }
0xab: {  	_ =	task [dreg:s7], $0x5FFFF  }
0xac: {  	[dreg:$0x1] =	wrdreg $0xFFFFFFFF  }
0xad: {  	[dreg:$0x0] =	wrdreg $0x60  }
0xae: {  	[dreg:$0x2] =	wrdreg s24  }
0xaf: {  	[dreg:$0x3] =	wrdreg s2  }
0xb0: {  	[dreg:$0x4] =	wrdreg $0x9  }
0xb1: {  	_ =	task.clear_ibuf [dreg:s7], $0x5FFFF;
	_ =	strace $0x90000046  }
0xb2: {  	s29 =	simm.s32 $0x9;
	_ =	strace $0x80000048  }
0xb3: {  	_ =	swait.ge [sflag:s29], $0x1  }
0xb4: {  	[sflag:s29] =	ssyncadd.s32 $0xFFFFFFFF  }
0xb5: {  	_ =	strace $0x90000048  }
0xb6: {  	_ =	sfence  }
0xb7: {  	s30 =	sld [smem:$0x0];
	_ =	sdelay $0x2  }
0xb8: {  	s31 =	sshll.u32 s1, $0xD;
	s1 =	sshrl.u32 s1, $0x2  }
0xb9: {  	s3 =	sand.u32 $0x4000, s31;
	s1 =	sadd.s32 s1, s30  }
0xba: {  	s0 =	sor.u32 s3, s0;
	s1 =	sshll.u32 s1, $0x11  }
0xbb: {  	s0 =	sor.u32 s1, s0  }
0xbc: {  	s0 =	sadd.s32 $0x8F2B, s0  }
0xbd: {  	[sflag:s0] =	ssyncadd.remote.s32 $0x1  }
0xbe: {  	_ =	sfence.sel $0xFFFF  }
0xbf: {  	[dreg:$0x0] =	wrdreg $0xFFFFFFFF;
	(pc) =	sbr.abs _section_cstart, $3  }
0xc0: {  	[dreg:$0x1] =	wrdreg $0xFFFFFFFF  }
0xc1: {  	_ =	task.clear_ibuf [dreg:s7], $0x2FFFF;
	_ =	strace $0x9FFFFFFF  }
0xc2: {  	(tm) =	ssettm $0x7FFFFFFF  }
0xc3: {  	_ =	shalt  }
tec
execute0_lowered:
.L_overlay_start_1:
0x0: {  	(tag) =	ssettag $0x1  }
0x1: {  	s4 =	rddreg [dreg:$0x0];
	s1 =	srdreg.scid  }
0x2: {  	s0 =	stileid.u32;
	s5 =	rddreg [dreg:$0x1];
	s2 =	simm.s32 $0x0  }
0x3: {  	s11 =	simm.s32 $0x6400;
	s12 =	simm.s32 $0xA400;
	s13 =	simm.s32 $0xE400  }
0x4: {  	s14 =	simm.s32 $0x1;
	s15 =	simm.s32 $0x12400;
	s16 =	simm.s32 $0x2  }
0x5: {  	s17 =	simm.s32 $0x3;
	s18 =	simm.s32 $0x4;
	s19 =	simm.s32 $0x5  }
0x6: {  	s20 =	simm.s32 $0x6;
	s21 =	simm.s32 $0x7;
	s22 =	simm.s32 $0x8  }
0x7: {  	s3 =	sand.u32 $0x1, s1;
	s6 =	sshll.u32 s0, $0x1;
	s1 =	rddreg [dreg:$0x2]  }
0x8: {  	s23 =	simm.s32 $0x0;
	[smem:$0x7FF] =	sst s2;
	s6 =	sor.u32 s3, s6  }
0x9: {  	_ =	strace $0x80000047;
	s8 =	ssub.s32 $0x2, s3;
	s7 =	smul.u32 $0xC80, s6  }
0xa: {  	s3 =	sadd.s32 $0xF42E00, s4;
	s9 =	smul.u32 $0x64000, s6;
	s10 =	sshrl.u32 s8, $0x1  }
0xb: {  	s4 =	sadd.s32 $0xA00, s4;
	s6 =	smul.u32 $0x320000, s6;
	s8 =	ssub.s32 s8, s10  }
0xc: {  	s10 =	simm.s32 $0x80;
	s5 =	sadd.s32 s5, s7;
	s9 =	sadd.s32 s9, s4  }
0xd: {  	s7 =	smax.u32 s8, $0x1;
	s8 =	sadd.s32 $0x800, s9;
	s9 =	simm.s32 $0x9  }
.LBB2_1:
0xe: {  	[tilespmem:s2], [sflag:$0x9] =	stream.linear.gather [hbm4b:s5+s2], $0x6400, $0x38;
	[tilespmem:$0x16400] =	vst v63  }
0xf: {  	_ =	swait.ge [sflag:s9], $0x6400  }
0x10: {  	[sflag:s9] =	ssyncset.done $0x0  }
0x11: {  	[sflag:s9] =	ssyncadd.s32 $0xFFFF9C00  }
0x12: {  	[tilespmem:s11], [sflag:$0x1] =	stream.indirect.gather [hbm4b:s3+s10], $0x80, s2, s10, $0xb8;
	[tilespmem:$0x16400] =	vst v63  }
0x13: {  	s24 =	simm.s32 $0x0  }
0x14: {  	[tilespmem:s12], [sflag:$0x2] =	stream.indirect.gather [hbm4b:s3+s10], $0x80, s10, s10, $0xb8;
	[tilespmem:$0x16400] =	vst v63  }
.LBB2_2:
0x15: {  	p0 =	seq.s32 s24, $0x0  }
0x16: {  	s26 =	sshll.u32 s24, $0x2;
	s28 =	simm.s32 @!p0 $0x7  }
0x17: {  	s25 =	sor.u32 $0x2, s26;
	_ =	swait.ge @!p0 [sflag:s28], $0x4000  }
0x18: {  	s29 =	sshll.u32 s25, $0x7;
	[sflag:s28] =	ssyncset.done @!p0 $0x0  }
0x19: {  	[sflag:s28] =	ssyncadd.s32 @!p0 $0xFFFFC000;
	s28 =	sand.u32 $0x3FFFFF80, s29  }
0x1a: {  	[tilespmem:s13], [sflag:$0x3] =	stream.indirect.gather [hbm4b:s3+s10], $0x80, s28, s10, $0xb8;
	[tilespmem:$0x16400] =	vst v63  }
0x1b: {  	_ =	swait.ge [sflag:s14], $0x4000  }
0x1c: {  	[sflag:s14] =	ssyncset.done $0x0  }
0x1d: {  	s28 =	simm.s32 $0x6600;
	[sflag:s14] =	ssyncadd.s32 $0xFFFFC000  }
0x1e: {  	v0 =	vld [tilespmem:s28+$0x1B0]  }
0x1f: {  	v1 =	vld [tilespmem:s28+$0xFFFFFE10]  }
0x20: {  	v2 =	vld [tilespmem:s28+$0xFFFFFE20]  }
0x21: {  	v3 =	vld [tilespmem:s28+$0xFFFFFE30]  }
0x22: {  	v4 =	vld [tilespmem:s28+$0xFFFFFE80]  }
0x23: {  	v5 =	vld [tilespmem:s28+$0xFFFFFE90];
	v0 =	vmul.f32 $8.000000000e+00, v0  }
0x24: {  	v6 =	vld [tilespmem:s28+$0xFFFFFEA0];
	v1 =	vmul.f32 $8.000000000e+00, v1  }
0x25: {  	v7 =	vld [tilespmem:s28+$0xFFFFFEB0];
	v2 =	vmul.f32 $8.000000000e+00, v2;
	[tilespmem:s28+$0x1B0] =	vst v0  }
0x26: {  	[tilespmem:s28+$0xFFFFFE10] =	vst v1;
	v0 =	vmul.f32 $8.000000000e+00, v3;
	v1 =	vld [tilespmem:s28+$0xFFFFFF00]  }
0x27: {  	[tilespmem:s28+$0xFFFFFE20] =	vst v2;
	v2 =	vmul.f32 $8.000000000e+00, v4;
	v3 =	vld [tilespmem:s28+$0xFFFFFF10]  }
0x28: {  	v4 =	vld [tilespmem:s28+$0xFFFFFF20];
	[tilespmem:s28+$0xFFFFFE30] =	vst v0;
	v0 =	vmul.f32 $8.000000000e+00, v5  }
0x29: {  	[tilespmem:s28+$0xFFFFFE80] =	vst v2;
	v2 =	vmul.f32 $8.000000000e+00, v6;
	v5 =	vld [tilespmem:s28+$0xFFFFFF30]  }
0x2a: {  	v6 =	vld [tilespmem:s28+$0xFFFFFF80];
	[tilespmem:s28+$0xFFFFFE90] =	vst v0;
	v0 =	vmul.f32 $8.000000000e+00, v7  }
0x2b: {  	[tilespmem:s28+$0xFFFFFEA0] =	vst v2;
	v2 =	vld [tilespmem:s28+$0xFFFFFF90];
	v1 =	vmul.f32 $8.000000000e+00, v1  }
0x2c: {  	[tilespmem:s28+$0xFFFFFEB0] =	vst v0;
	v0 =	vmul.f32 $8.000000000e+00, v3;
	v3 =	vld [tilespmem:s28+$0xFFFFFFA0]  }
0x2d: {  	[tilespmem:s28+$0xFFFFFF00] =	vst v1;
	v1 =	vmul.f32 $8.000000000e+00, v4;
	v4 =	vld [tilespmem:s28+$0xFFFFFFB0]  }
0x2e: {  	[tilespmem:s28+$0xFFFFFF10] =	vst v0;
	v0 =	vmul.f32 $8.000000000e+00, v5;
	v5 =	vld [tilespmem:s28+$0x0]  }
0x2f: {  	[tilespmem:s28+$0xFFFFFF20] =	vst v1;
	v1 =	vmul.f32 $8.000000000e+00, v6;
	v6 =	vld [tilespmem:s28+$0x10]  }
0x30: {  	[tilespmem:s28+$0xFFFFFF30] =	vst v0;
	v0 =	vmul.f32 $8.000000000e+00, v2;
	v2 =	vld [tilespmem:s28+$0x20]  }
0x31: {  	[tilespmem:s28+$0xFFFFFF80] =	vst v1;
	v1 =	vmul.f32 $8.000000000e+00, v3;
	v3 =	vld [tilespmem:s28+$0x30]  }
0x32: {  	[tilespmem:s28+$0xFFFFFF90] =	vst v0;
	v0 =	vmul.f32 $8.000000000e+00, v4;
	v4 =	vld [tilespmem:s28+$0x80]  }
0x33: {  	[tilespmem:s28+$0xFFFFFFA0] =	vst v1;
	v1 =	vmul.f32 $8.000000000e+00, v5;
	v5 =	vld [tilespmem:s28+$0x90]  }
0x34: {  	[tilespmem:s28+$0xFFFFFFB0] =	vst v0;
	v0 =	vmul.f32 $8.000000000e+00, v6;
	v6 =	vld [tilespmem:s28+$0xA0]  }
0x35: {  	[tilespmem:s28+$0x0] =	vst v1;
	v1 =	vmul.f32 $8.000000000e+00, v2;
	v2 =	vld [tilespmem:s28+$0xB0]  }
0x36: {  	[tilespmem:s28+$0x10] =	vst v0;
	v0 =	vmul.f32 $8.000000000e+00, v3;
	v3 =	vld [tilespmem:s28+$0x100]  }
0x37: {  	[tilespmem:s28+$0x20] =	vst v1;
	v1 =	vmul.f32 $8.000000000e+00, v4;
	v4 =	vld [tilespmem:s28+$0x110]  }
0x38: {  	v7 =	vld [tilespmem:s28+$0x120];
	[tilespmem:s28+$0x30] =	vst v0;
	v5 =	vmul.f32 $8.000000000e+00, v5  }
0x39: {  	v0 =	vld [tilespmem:s28+$0x130];
	[tilespmem:s28+$0x80] =	vst v1;
	v6 =	vmul.f32 $8.000000000e+00, v6  }
0x3a: {  	v1 =	vld [tilespmem:s28+$0x180];
	[tilespmem:s28+$0x90] =	vst v5;
	v5 =	vmul.f32 $8.000000000e+00, v2  }
0x3b: {  	v2 =	vld [tilespmem:s28+$0x190];
	[tilespmem:s28+$0xA0] =	vst v6;
	v6 =	vmul.f32 $8.000000000e+00, v3  }
0x3c: {  	v3 =	vld [tilespmem:s28+$0x1A0];
	[tilespmem:s28+$0xB0] =	vst v5;
	v5 =	vmul.f32 $8.000000000e+00, v4  }
0x3d: {  	s30 =	simm.s32 $0x6A00;
	s29 =	simm.s32 $0x0;
	v4 =	vld [tilespmem:s28+$0xFFFFFE00];
	[tilespmem:s28+$0x100] =	vst v6;
	v6 =	vmul.f32 $8.000000000e+00, v7  }
.LBB2_3:
0x3e: {  	v7 =	vld [tilespmem:s30+$0x1B0];
	s29 =	sadd.s32 $0x8, s29;
	[tilespmem:s28+$0x110] =	vst v5;
	v0 =	vmul.f32 $8.000000000e+00, v0  }
0x3f: {  	v5 =	vld [tilespmem:s30+$0xFFFFFE10];
	p1 =	slt.u32 s29, $0x78;
	[tilespmem:s28+$0x120] =	vst v6;
	v1 =	vmul.f32 $8.000000000e+00, v1  }
0x40: {  	v6 =	vld [tilespmem:s30+$0xFFFFFE20];
	[tilespmem:s28+$0x130] =	vst v0;
	v0 =	vmul.f32 $8.000000000e+00, v2  }
0x41: {  	v2 =	vld [tilespmem:s30+$0xFFFFFE30];
	[tilespmem:s28+$0x180] =	vst v1;
	v1 =	vmul.f32 $8.000000000e+00, v3  }
0x42: {  	v3 =	vld [tilespmem:s30+$0xFFFFFE80];
	v4 =	vmul.f32 $8.000000000e+00, v4;
	[tilespmem:s28+$0x190] =	vst v0  }
0x43: {  	v0 =	vld [tilespmem:s30+$0xFFFFFE90];
	v7 =	vmul.f32 $8.000000000e+00, v7;
	[tilespmem:s28+$0x1A0] =	vst v1  }
0x44: {  	v1 =	vmul.f32 $8.000000000e+00, v5;
	v5 =	vld [tilespmem:s30+$0xFFFFFEA0];
	[tilespmem:s28+$0xFFFFFE00] =	vst v4;
	s28 =	smov.u32 s30  }
0x45: {  	v4 =	vmul.f32 $8.000000000e+00, v6;
	v6 =	vld [tilespmem:s30+$0xFFFFFEB0];
	[tilespmem:s30+$0x1B0] =	vst v7  }
0x46: {  	[tilespmem:s30+$0xFFFFFE10] =	vst v1;
	v1 =	vmul.f32 $8.000000000e+00, v2;
	v2 =	vld [tilespmem:s30+$0xFFFFFF00]  }
0x47: {  	[tilespmem:s30+$0xFFFFFE20] =	vst v4;
	v3 =	vmul.f32 $8.000000000e+00, v3;
	v4 =	vld [tilespmem:s30+$0xFFFFFF10]  }
0x48: {  	[tilespmem:s30+$0xFFFFFE30] =	vst v1;
	v0 =	vmul.f32 $8.000000000e+00, v0;
	v1 =	vld [tilespmem:s30+$0xFFFFFF20]  }
0x49: {  	[tilespmem:s30+$0xFFFFFE80] =	vst v3;
	v3 =	vmul.f32 $8.000000000e+00, v5;
	v5 =	vld [tilespmem:s30+$0xFFFFFF30]  }
0x4a: {  	[tilespmem:s30+$0xFFFFFE90] =	vst v0;
	v0 =	vmul.f32 $8.000000000e+00, v6;
	v6 =	vld [tilespmem:s30+$0xFFFFFF80]  }
0x4b: {  	[tilespmem:s30+$0xFFFFFEA0] =	vst v3;
	v2 =	vmul.f32 $8.000000000e+00, v2;
	v3 =	vld [tilespmem:s30+$0xFFFFFF90]  }
0x4c: {  	[tilespmem:s30+$0xFFFFFEB0] =	vst v0;
	v0 =	vmul.f32 $8.000000000e+00, v4;
	v4 =	vld [tilespmem:s30+$0xFFFFFFA0]  }
0x4d: {  	[tilespmem:s30+$0xFFFFFF00] =	vst v2;
	v1 =	vmul.f32 $8.000000000e+00, v1;
	v2 =	vld [tilespmem:s30+$0xFFFFFFB0]  }
0x4e: {  	[tilespmem:s30+$0xFFFFFF10] =	vst v0;
	v0 =	vmul.f32 $8.000000000e+00, v5;
	v5 =	vld [tilespmem:s30+$0x0]  }
0x4f: {  	[tilespmem:s30+$0xFFFFFF20] =	vst v1;
	v1 =	vmul.f32 $8.000000000e+00, v6;
	v6 =	vld [tilespmem:s30+$0x10]  }
0x50: {  	[tilespmem:s30+$0xFFFFFF30] =	vst v0;
	v0 =	vmul.f32 $8.000000000e+00, v3;
	v3 =	vld [tilespmem:s30+$0x20]  }
0x51: {  	[tilespmem:s30+$0xFFFFFF80] =	vst v1;
	v1 =	vmul.f32 $8.000000000e+00, v4;
	v4 =	vld [tilespmem:s30+$0x30]  }
0x52: {  	[tilespmem:s30+$0xFFFFFF90] =	vst v0;
	v0 =	vmul.f32 $8.000000000e+00, v2;
	v2 =	vld [tilespmem:s30+$0x80]  }
0x53: {  	[tilespmem:s30+$0xFFFFFFA0] =	vst v1;
	v1 =	vmul.f32 $8.000000000e+00, v5;
	v5 =	vld [tilespmem:s30+$0x90]  }
0x54: {  	[tilespmem:s30+$0xFFFFFFB0] =	vst v0;
	v0 =	vmul.f32 $8.000000000e+00, v6;
	v6 =	vld [tilespmem:s30+$0xA0]  }
0x55: {  	[tilespmem:s30+$0x0] =	vst v1;
	v1 =	vmul.f32 $8.000000000e+00, v3;
	v3 =	vld [tilespmem:s30+$0xB0]  }
0x56: {  	[tilespmem:s30+$0x10] =	vst v0;
	v0 =	vmul.f32 $8.000000000e+00, v4;
	v4 =	vld [tilespmem:s30+$0x100]  }
0x57: {  	[tilespmem:s30+$0x20] =	vst v1;
	v1 =	vmul.f32 $8.000000000e+00, v2;
	v7 =	vld [tilespmem:s30+$0x110]  }
0x58: {  	[tilespmem:s30+$0x30] =	vst v0;
	v2 =	vmul.f32 $8.000000000e+00, v5;
	v8 =	vld [tilespmem:s30+$0x120]  }
.Ltmp0:
0x59: {  	[tilespmem:s30+$0x80] =	vst v1;
	v5 =	vmul.f32 $8.000000000e+00, v6;
	v0 =	vld [tilespmem:s30+$0x130];
	(pc) =	sbr.rel @p1 .LBB2_3-.Ltmp0, $4  }
0x5a: {  	[tilespmem:s30+$0x90] =	vst v2;
	v3 =	vmul.f32 $8.000000000e+00, v3;
	v1 =	vld [tilespmem:s30+$0x180]  }
0x5b: {  	[tilespmem:s30+$0xA0] =	vst v5;
	v6 =	vmul.f32 $8.000000000e+00, v4;
	v2 =	vld [tilespmem:s30+$0x190]  }
0x5c: {  	[tilespmem:s30+$0xB0] =	vst v3;
	v5 =	vmul.f32 $8.000000000e+00, v7;
	v3 =	vld [tilespmem:s30+$0x1A0]  }
0x5d: {  	s30 =	sadd.s32 $0x400, s30;
	v4 =	vld [tilespmem:s28+$0xFFFFFE00];
	[tilespmem:s28+$0x100] =	vst v6;
	v6 =	vmul.f32 $8.000000000e+00, v8  }
0x5e: {  	[tilespmem:s28+$0x110] =	vst v5;
	v0 =	vmul.f32 $8.000000000e+00, v0  }
0x5f: {  	[tilespmem:s28+$0x120] =	vst v6;
	v1 =	vmul.f32 $8.000000000e+00, v1  }
0x60: {  	[tilespmem:s28+$0x130] =	vst v0;
	v0 =	vmul.f32 $8.000000000e+00, v2  }
0x61: {  	s29 =	sshll.u32 s24, $0x10;
	[tilespmem:s28+$0x180] =	vst v1;
	v1 =	vmul.f32 $8.000000000e+00, v3  }
0x62: {  	s29 =	sadd.s32 s6, s29;
	v2 =	vmul.f32 $8.000000000e+00, v4;
	[tilespmem:s28+$0x190] =	vst v0  }
0x63: {  	s29 =	sshrl.u32 s29, $0x3;
	[tilespmem:s28+$0x1A0] =	vst v1  }
0x64: {  	[tilespmem:s28+$0xFFFFFE00] =	vst v2;
	s28 =	sadd.s32 s4, s29  }
0x65: {  	[hbm4b:s28+s2] =	stream.linear.scatter [tilespmem:s11], [sflag:$0x5], $0x4000, $0x38;
	[tilespmem:$0x16400] =	vst v63  }
0x66: {  	s28 =	simm.s32 @!p0 $0x8  }
0x67: {  	s26 =	sor.u32 $0x3, s26;
	_ =	swait.ge @!p0 [sflag:s28], $0x4000  }
0x68: {  	s29 =	sshll.u32 s26, $0x7;
	[sflag:s28] =	ssyncset.done @!p0 $0x0  }
0x69: {  	[sflag:s28] =	ssyncadd.s32 @!p0 $0xFFFFC000;
	s28 =	sand.u32 $0x3FFFFF80, s29  }
0x6a: {  	[tilespmem:s15], [sflag:$0x4] =	stream.indirect.gather [hbm4b:s3+s10], $0x80, s28, s10, $0xb8;
	[tilespmem:$0x16400] =	vst v63  }
0x6b: {  	_ =	swait.ge [sflag:s16], $0x4000  }
0x6c: {  	[sflag:s16] =	ssyncset.done $0x0  }
0x6d: {  	s28 =	simm.s32 $0xA600;
	[sflag:s16] =	ssyncadd.s32 $0xFFFFC000  }
0x6e: {  	v0 =	vld [tilespmem:s28+$0x1B0]  }
0x6f: {  	v1 =	vld [tilespmem:s28+$0xFFFFFE10]  }
0x70: {  	v2 =	vld [tilespmem:s28+$0xFFFFFE20]  }
0x71: {  	v3 =	vld [tilespmem:s28+$0xFFFFFE30]  }
0x72: {  	v4 =	vld [tilespmem:s28+$0xFFFFFE80]  }
0x73: {  	v5 =	vld [tilespmem:s28+$0xFFFFFE90];
	v0 =	vmul.f32 $8.000000000e+00, v0  }
0x74: {  	v6 =	vld [tilespmem:s28+$0xFFFFFEA0];
	v1 =	vmul.f32 $8.000000000e+00, v1  }
0x75: {  	v7 =	vld [tilespmem:s28+$0xFFFFFEB0];
	v2 =	vmul.f32 $8.000000000e+00, v2;
	[tilespmem:s28+$0x1B0] =	vst v0  }
0x76: {  	[tilespmem:s28+$0xFFFFFE10] =	vst v1;
	v0 =	vmul.f32 $8.000000000e+00, v3;
	v1 =	vld [tilespmem:s28+$0xFFFFFF00]  }
0x77: {  	[tilespmem:s28+$0xFFFFFE20] =	vst v2;
	v2 =	vmul.f32 $8.000000000e+00, v4;
	v3 =	vld [tilespmem:s28+$0xFFFFFF10]  }
0x78: {  	v4 =	vld [tilespmem:s28+$0xFFFFFF20];
	[tilespmem:s28+$0xFFFFFE30] =	vst v0;
	v0 =	vmul.f32 $8.000000000e+00, v5  }
0x79: {  	[tilespmem:s28+$0xFFFFFE80] =	vst v2;
	v2 =	vmul.f32 $8.000000000e+00, v6;
	v5 =	vld [tilespmem:s28+$0xFFFFFF30]  }
0x7a: {  	v6 =	vld [tilespmem:s28+$0xFFFFFF80];
	[tilespmem:s28+$0xFFFFFE90] =	vst v0;
	v0 =	vmul.f32 $8.000000000e+00, v7  }
0x7b: {  	[tilespmem:s28+$0xFFFFFEA0] =	vst v2;
	v2 =	vld [tilespmem:s28+$0xFFFFFF90];
	v1 =	vmul.f32 $8.000000000e+00, v1  }
0x7c: {  	[tilespmem:s28+$0xFFFFFEB0] =	vst v0;
	v0 =	vmul.f32 $8.000000000e+00, v3;
	v3 =	vld [tilespmem:s28+$0xFFFFFFA0]  }
0x7d: {  	[tilespmem:s28+$0xFFFFFF00] =	vst v1;
	v1 =	vmul.f32 $8.000000000e+00, v4;
	v4 =	vld [tilespmem:s28+$0xFFFFFFB0]  }
0x7e: {  	[tilespmem:s28+$0xFFFFFF10] =	vst v0;
	v0 =	vmul.f32 $8.000000000e+00, v5;
	v5 =	vld [tilespmem:s28+$0x0]  }
0x7f: {  	[tilespmem:s28+$0xFFFFFF20] =	vst v1;
	v1 =	vmul.f32 $8.000000000e+00, v6;
	v6 =	vld [tilespmem:s28+$0x10]  }
0x80: {  	[tilespmem:s28+$0xFFFFFF30] =	vst v0;
	v0 =	vmul.f32 $8.000000000e+00, v2;
	v2 =	vld [tilespmem:s28+$0x20]  }
0x81: {  	[tilespmem:s28+$0xFFFFFF80] =	vst v1;
	v1 =	vmul.f32 $8.000000000e+00, v3;
	v3 =	vld [tilespmem:s28+$0x30]  }
0x82: {  	[tilespmem:s28+$0xFFFFFF90] =	vst v0;
	v0 =	vmul.f32 $8.000000000e+00, v4;
	v4 =	vld [tilespmem:s28+$0x80]  }
0x83: {  	[tilespmem:s28+$0xFFFFFFA0] =	vst v1;
	v1 =	vmul.f32 $8.000000000e+00, v5;
	v5 =	vld [tilespmem:s28+$0x90]  }
0x84: {  	[tilespmem:s28+$0xFFFFFFB0] =	vst v0;
	v0 =	vmul.f32 $8.000000000e+00, v6;
	v6 =	vld [tilespmem:s28+$0xA0]  }
0x85: {  	[tilespmem:s28+$0x0] =	vst v1;
	v1 =	vmul.f32 $8.000000000e+00, v2;
	v2 =	vld [tilespmem:s28+$0xB0]  }
0x86: {  	[tilespmem:s28+$0x10] =	vst v0;
	v0 =	vmul.f32 $8.000000000e+00, v3;
	v3 =	vld [tilespmem:s28+$0x100]  }
0x87: {  	[tilespmem:s28+$0x20] =	vst v1;
	v1 =	vmul.f32 $8.000000000e+00, v4;
	v4 =	vld [tilespmem:s28+$0x110]  }
0x88: {  	v7 =	vld [tilespmem:s28+$0x120];
	[tilespmem:s28+$0x30] =	vst v0;
	v5 =	vmul.f32 $8.000000000e+00, v5  }
0x89: {  	v0 =	vld [tilespmem:s28+$0x130];
	[tilespmem:s28+$0x80] =	vst v1;
	v6 =	vmul.f32 $8.000000000e+00, v6  }
0x8a: {  	v1 =	vld [tilespmem:s28+$0x180];
	[tilespmem:s28+$0x90] =	vst v5;
	v5 =	vmul.f32 $8.000000000e+00, v2  }
0x8b: {  	v2 =	vld [tilespmem:s28+$0x190];
	[tilespmem:s28+$0xA0] =	vst v6;
	v6 =	vmul.f32 $8.000000000e+00, v3  }
0x8c: {  	v3 =	vld [tilespmem:s28+$0x1A0];
	[tilespmem:s28+$0xB0] =	vst v5;
	v5 =	vmul.f32 $8.000000000e+00, v4  }
0x8d: {  	s30 =	simm.s32 $0xAA00;
	s29 =	simm.s32 $0x0;
	v4 =	vld [tilespmem:s28+$0xFFFFFE00];
	[tilespmem:s28+$0x100] =	vst v6;
	v6 =	vmul.f32 $8.000000000e+00, v7  }
.LBB2_5:
0x8e: {  	v7 =	vld [tilespmem:s30+$0x1B0];
	s29 =	sadd.s32 $0x8, s29;
	[tilespmem:s28+$0x110] =	vst v5;
	v0 =	vmul.f32 $8.000000000e+00, v0  }
0x8f: {  	v5 =	vld [tilespmem:s30+$0xFFFFFE10];
	p0 =	slt.u32 s29, $0x78;
	[tilespmem:s28+$0x120] =	vst v6;
	v1 =	vmul.f32 $8.000000000e+00, v1  }
0x90: {  	v6 =	vld [tilespmem:s30+$0xFFFFFE20];
	[tilespmem:s28+$0x130] =	vst v0;
	v0 =	vmul.f32 $8.000000000e+00, v2  }
0x91: {  	v2 =	vld [tilespmem:s30+$0xFFFFFE30];
	[tilespmem:s28+$0x180] =	vst v1;
	v1 =	vmul.f32 $8.000000000e+00, v3  }
0x92: {  	v3 =	vld [tilespmem:s30+$0xFFFFFE80];
	v4 =	vmul.f32 $8.000000000e+00, v4;
	[tilespmem:s28+$0x190] =	vst v0  }
0x93: {  	v0 =	vld [tilespmem:s30+$0xFFFFFE90];
	v7 =	vmul.f32 $8.000000000e+00, v7;
	[tilespmem:s28+$0x1A0] =	vst v1  }
0x94: {  	v1 =	vmul.f32 $8.000000000e+00, v5;
	v5 =	vld [tilespmem:s30+$0xFFFFFEA0];
	[tilespmem:s28+$0xFFFFFE00] =	vst v4;
	s28 =	smov.u32 s30  }
0x95: {  	v4 =	vmul.f32 $8.000000000e+00, v6;
	v6 =	vld [tilespmem:s30+$0xFFFFFEB0];
	[tilespmem:s30+$0x1B0] =	vst v7  }
0x96: {  	[tilespmem:s30+$0xFFFFFE10] =	vst v1;
	v1 =	vmul.f32 $8.000000000e+00, v2;
	v2 =	vld [tilespmem:s30+$0xFFFFFF00]  }
0x97: {  	[tilespmem:s30+$0xFFFFFE20] =	vst v4;
	v3 =	vmul.f32 $8.000000000e+00, v3;
	v4 =	vld [tilespmem:s30+$0xFFFFFF10]  }
0x98: {  	[tilespmem:s30+$0xFFFFFE30] =	vst v1;
	v0 =	vmul.f32 $8.000000000e+00, v0;
	v1 =	vld [tilespmem:s30+$0xFFFFFF20]  }
0x99: {  	[tilespmem:s30+$0xFFFFFE80] =	vst v3;
	v3 =	vmul.f32 $8.000000000e+00, v5;
	v5 =	vld [tilespmem:s30+$0xFFFFFF30]  }
0x9a: {  	[tilespmem:s30+$0xFFFFFE90] =	vst v0;
	v0 =	vmul.f32 $8.000000000e+00, v6;
	v6 =	vld [tilespmem:s30+$0xFFFFFF80]  }
0x9b: {  	[tilespmem:s30+$0xFFFFFEA0] =	vst v3;
	v2 =	vmul.f32 $8.000000000e+00, v2;
	v3 =	vld [tilespmem:s30+$0xFFFFFF90]  }
0x9c: {  	[tilespmem:s30+$0xFFFFFEB0] =	vst v0;
	v0 =	vmul.f32 $8.000000000e+00, v4;
	v4 =	vld [tilespmem:s30+$0xFFFFFFA0]  }
0x9d: {  	[tilespmem:s30+$0xFFFFFF00] =	vst v2;
	v1 =	vmul.f32 $8.000000000e+00, v1;
	v2 =	vld [tilespmem:s30+$0xFFFFFFB0]  }
0x9e: {  	[tilespmem:s30+$0xFFFFFF10] =	vst v0;
	v0 =	vmul.f32 $8.000000000e+00, v5;
	v5 =	vld [tilespmem:s30+$0x0]  }
0x9f: {  	[tilespmem:s30+$0xFFFFFF20] =	vst v1;
	v1 =	vmul.f32 $8.000000000e+00, v6;
	v6 =	vld [tilespmem:s30+$0x10]  }
0xa0: {  	[tilespmem:s30+$0xFFFFFF30] =	vst v0;
	v0 =	vmul.f32 $8.000000000e+00, v3;
	v3 =	vld [tilespmem:s30+$0x20]  }
0xa1: {  	[tilespmem:s30+$0xFFFFFF80] =	vst v1;
	v1 =	vmul.f32 $8.000000000e+00, v4;
	v4 =	vld [tilespmem:s30+$0x30]  }
0xa2: {  	[tilespmem:s30+$0xFFFFFF90] =	vst v0;
	v0 =	vmul.f32 $8.000000000e+00, v2;
	v2 =	vld [tilespmem:s30+$0x80]  }
0xa3: {  	[tilespmem:s30+$0xFFFFFFA0] =	vst v1;
	v1 =	vmul.f32 $8.000000000e+00, v5;
	v5 =	vld [tilespmem:s30+$0x90]  }
0xa4: {  	[tilespmem:s30+$0xFFFFFFB0] =	vst v0;
	v0 =	vmul.f32 $8.000000000e+00, v6;
	v6 =	vld [tilespmem:s30+$0xA0]  }
0xa5: {  	[tilespmem:s30+$0x0] =	vst v1;
	v1 =	vmul.f32 $8.000000000e+00, v3;
	v3 =	vld [tilespmem:s30+$0xB0]  }
0xa6: {  	[tilespmem:s30+$0x10] =	vst v0;
	v0 =	vmul.f32 $8.000000000e+00, v4;
	v4 =	vld [tilespmem:s30+$0x100]  }
0xa7: {  	[tilespmem:s30+$0x20] =	vst v1;
	v1 =	vmul.f32 $8.000000000e+00, v2;
	v7 =	vld [tilespmem:s30+$0x110]  }
0xa8: {  	[tilespmem:s30+$0x30] =	vst v0;
	v2 =	vmul.f32 $8.000000000e+00, v5;
	v8 =	vld [tilespmem:s30+$0x120]  }
.Ltmp1:
0xa9: {  	[tilespmem:s30+$0x80] =	vst v1;
	v5 =	vmul.f32 $8.000000000e+00, v6;
	v0 =	vld [tilespmem:s30+$0x130];
	(pc) =	sbr.rel @p0 .LBB2_5-.Ltmp1, $4  }
0xaa: {  	[tilespmem:s30+$0x90] =	vst v2;
	v3 =	vmul.f32 $8.000000000e+00, v3;
	v1 =	vld [tilespmem:s30+$0x180]  }
0xab: {  	[tilespmem:s30+$0xA0] =	vst v5;
	v6 =	vmul.f32 $8.000000000e+00, v4;
	v2 =	vld [tilespmem:s30+$0x190]  }
0xac: {  	[tilespmem:s30+$0xB0] =	vst v3;
	v5 =	vmul.f32 $8.000000000e+00, v7;
	v3 =	vld [tilespmem:s30+$0x1A0]  }
0xad: {  	s30 =	sadd.s32 $0x400, s30;
	v4 =	vld [tilespmem:s28+$0xFFFFFE00];
	[tilespmem:s28+$0x100] =	vst v6;
	v6 =	vmul.f32 $8.000000000e+00, v8  }
0xae: {  	[tilespmem:s28+$0x110] =	vst v5;
	v0 =	vmul.f32 $8.000000000e+00, v0  }
0xaf: {  	[tilespmem:s28+$0x120] =	vst v6;
	v1 =	vmul.f32 $8.000000000e+00, v1  }
0xb0: {  	[tilespmem:s28+$0x130] =	vst v0;
	v0 =	vmul.f32 $8.000000000e+00, v2  }
0xb1: {  	[tilespmem:s28+$0x180] =	vst v1;
	v1 =	vmul.f32 $8.000000000e+00, v3  }
0xb2: {  	v2 =	vmul.f32 $8.000000000e+00, v4;
	[tilespmem:s28+$0x190] =	vst v0  }
0xb3: {  	s29 =	sshll.u32 s24, $0xD;
	[tilespmem:s28+$0x1A0] =	vst v1  }
0xb4: {  	p0 =	seq.s32 s24, $0x31;
	[tilespmem:s28+$0xFFFFFE00] =	vst v2;
	s28 =	sadd.s32 s8, s29  }
0xb5: {  	[hbm4b:s28+s2] =	stream.linear.scatter [tilespmem:s12], [sflag:$0x6], $0x4000, $0x38;
	[tilespmem:$0x16400] =	vst v63  }
0xb6: {  	s28 =	simm.s32 @!p0 $0x5  }
0xb7: {  	_ =	swait.ge @!p0 [sflag:s28], $0x4000  }
0xb8: {  	s29 =	sshll.u32 @!p0 s24, $0x9;
	[sflag:s28] =	ssyncset.done @!p0 $0x0  }
0xb9: {  	[sflag:s28] =	ssyncadd.s32 @!p0 $0xFFFFC000;
	s28 =	sand.u32 @!p0 $0x3FFFFE00, s29  }
0xba: {  	s30 =	simm.s32 @!p0 $0x80;
	s31 =	simm.s32 @!p0 $0x6400;
	s29 =	sadd.s32 @!p0 $0x200, s28  }
0xbb: {  	[tilespmem:s31], [sflag:$0x1] =	stream.indirect.gather @!p0 [hbm4b:s3+s30], $0x80, s29, s30, $0xb8;
	[tilespmem:$0x16400] =	vst v63  }
0xbc: {  	_ =	swait.ge [sflag:s17], $0x4000  }
0xbd: {  	[sflag:s17] =	ssyncset.done $0x0  }
0xbe: {  	s29 =	simm.s32 $0xE600;
	[sflag:s17] =	ssyncadd.s32 $0xFFFFC000  }
0xbf: {  	v0 =	vld [tilespmem:s29+$0x1B0]  }
0xc0: {  	v1 =	vld [tilespmem:s29+$0xFFFFFE10]  }
0xc1: {  	v2 =	vld [tilespmem:s29+$0xFFFFFE20]  }
0xc2: {  	v3 =	vld [tilespmem:s29+$0xFFFFFE30]  }
0xc3: {  	v4 =	vld [tilespmem:s29+$0xFFFFFE80]  }
0xc4: {  	v5 =	vld [tilespmem:s29+$0xFFFFFE90];
	v0 =	vmul.f32 $8.000000000e+00, v0  }
0xc5: {  	v6 =	vld [tilespmem:s29+$0xFFFFFEA0];
	v1 =	vmul.f32 $8.000000000e+00, v1  }
0xc6: {  	v7 =	vld [tilespmem:s29+$0xFFFFFEB0];
	v2 =	vmul.f32 $8.000000000e+00, v2;
	[tilespmem:s29+$0x1B0] =	vst v0  }
0xc7: {  	[tilespmem:s29+$0xFFFFFE10] =	vst v1;
	v0 =	vmul.f32 $8.000000000e+00, v3;
	v1 =	vld [tilespmem:s29+$0xFFFFFF00]  }
0xc8: {  	[tilespmem:s29+$0xFFFFFE20] =	vst v2;
	v2 =	vmul.f32 $8.000000000e+00, v4;
	v3 =	vld [tilespmem:s29+$0xFFFFFF10]  }
0xc9: {  	v4 =	vld [tilespmem:s29+$0xFFFFFF20];
	[tilespmem:s29+$0xFFFFFE30] =	vst v0;
	v0 =	vmul.f32 $8.000000000e+00, v5  }
0xca: {  	[tilespmem:s29+$0xFFFFFE80] =	vst v2;
	v2 =	vmul.f32 $8.000000000e+00, v6;
	v5 =	vld [tilespmem:s29+$0xFFFFFF30]  }
0xcb: {  	v6 =	vld [tilespmem:s29+$0xFFFFFF80];
	[tilespmem:s29+$0xFFFFFE90] =	vst v0;
	v0 =	vmul.f32 $8.000000000e+00, v7  }
0xcc: {  	[tilespmem:s29+$0xFFFFFEA0] =	vst v2;
	v2 =	vld [tilespmem:s29+$0xFFFFFF90];
	v1 =	vmul.f32 $8.000000000e+00, v1  }
0xcd: {  	[tilespmem:s29+$0xFFFFFEB0] =	vst v0;
	v0 =	vmul.f32 $8.000000000e+00, v3;
	v3 =	vld [tilespmem:s29+$0xFFFFFFA0]  }
0xce: {  	[tilespmem:s29+$0xFFFFFF00] =	vst v1;
	v1 =	vmul.f32 $8.000000000e+00, v4;
	v4 =	vld [tilespmem:s29+$0xFFFFFFB0]  }
0xcf: {  	[tilespmem:s29+$0xFFFFFF10] =	vst v0;
	v0 =	vmul.f32 $8.000000000e+00, v5;
	v5 =	vld [tilespmem:s29+$0x0]  }
0xd0: {  	[tilespmem:s29+$0xFFFFFF20] =	vst v1;
	v1 =	vmul.f32 $8.000000000e+00, v6;
	v6 =	vld [tilespmem:s29+$0x10]  }
0xd1: {  	[tilespmem:s29+$0xFFFFFF30] =	vst v0;
	v0 =	vmul.f32 $8.000000000e+00, v2;
	v2 =	vld [tilespmem:s29+$0x20]  }
0xd2: {  	[tilespmem:s29+$0xFFFFFF80] =	vst v1;
	v1 =	vmul.f32 $8.000000000e+00, v3;
	v3 =	vld [tilespmem:s29+$0x30]  }
0xd3: {  	[tilespmem:s29+$0xFFFFFF90] =	vst v0;
	v0 =	vmul.f32 $8.000000000e+00, v4;
	v4 =	vld [tilespmem:s29+$0x80]  }
0xd4: {  	[tilespmem:s29+$0xFFFFFFA0] =	vst v1;
	v1 =	vmul.f32 $8.000000000e+00, v5;
	v5 =	vld [tilespmem:s29+$0x90]  }
0xd5: {  	[tilespmem:s29+$0xFFFFFFB0] =	vst v0;
	v0 =	vmul.f32 $8.000000000e+00, v6;
	v6 =	vld [tilespmem:s29+$0xA0]  }
0xd6: {  	[tilespmem:s29+$0x0] =	vst v1;
	v1 =	vmul.f32 $8.000000000e+00, v2;
	v2 =	vld [tilespmem:s29+$0xB0]  }
0xd7: {  	[tilespmem:s29+$0x10] =	vst v0;
	v0 =	vmul.f32 $8.000000000e+00, v3;
	v3 =	vld [tilespmem:s29+$0x100]  }
0xd8: {  	[tilespmem:s29+$0x20] =	vst v1;
	v1 =	vmul.f32 $8.000000000e+00, v4;
	v4 =	vld [tilespmem:s29+$0x110]  }
0xd9: {  	v7 =	vld [tilespmem:s29+$0x120];
	[tilespmem:s29+$0x30] =	vst v0;
	v5 =	vmul.f32 $8.000000000e+00, v5  }
0xda: {  	v0 =	vld [tilespmem:s29+$0x130];
	[tilespmem:s29+$0x80] =	vst v1;
	v6 =	vmul.f32 $8.000000000e+00, v6  }
0xdb: {  	v1 =	vld [tilespmem:s29+$0x180];
	[tilespmem:s29+$0x90] =	vst v5;
	v5 =	vmul.f32 $8.000000000e+00, v2  }
0xdc: {  	v2 =	vld [tilespmem:s29+$0x190];
	[tilespmem:s29+$0xA0] =	vst v6;
	v6 =	vmul.f32 $8.000000000e+00, v3  }
0xdd: {  	v3 =	vld [tilespmem:s29+$0x1A0];
	[tilespmem:s29+$0xB0] =	vst v5;
	v5 =	vmul.f32 $8.000000000e+00, v4  }
0xde: {  	s30 =	simm.s32 $0x0;
	s31 =	simm.s32 $0xEA00;
	v4 =	vld [tilespmem:s29+$0xFFFFFE00];
	[tilespmem:s29+$0x100] =	vst v6;
	v6 =	vmul.f32 $8.000000000e+00, v7  }
.LBB2_7:
0xdf: {  	v7 =	vld [tilespmem:s31+$0x1B0];
	s30 =	sadd.s32 $0x8, s30;
	[tilespmem:s29+$0x110] =	vst v5;
	v0 =	vmul.f32 $8.000000000e+00, v0  }
0xe0: {  	v5 =	vld [tilespmem:s31+$0xFFFFFE10];
	p1 =	slt.u32 s30, $0x78;
	[tilespmem:s29+$0x120] =	vst v6;
	v1 =	vmul.f32 $8.000000000e+00, v1  }
0xe1: {  	v6 =	vld [tilespmem:s31+$0xFFFFFE20];
	[tilespmem:s29+$0x130] =	vst v0;
	v0 =	vmul.f32 $8.000000000e+00, v2  }
0xe2: {  	v2 =	vld [tilespmem:s31+$0xFFFFFE30];
	[tilespmem:s29+$0x180] =	vst v1;
	v1 =	vmul.f32 $8.000000000e+00, v3  }
0xe3: {  	v3 =	vld [tilespmem:s31+$0xFFFFFE80];
	v4 =	vmul.f32 $8.000000000e+00, v4;
	[tilespmem:s29+$0x190] =	vst v0  }
0xe4: {  	v0 =	vld [tilespmem:s31+$0xFFFFFE90];
	v7 =	vmul.f32 $8.000000000e+00, v7;
	[tilespmem:s29+$0x1A0] =	vst v1  }
0xe5: {  	v1 =	vmul.f32 $8.000000000e+00, v5;
	v5 =	vld [tilespmem:s31+$0xFFFFFEA0];
	[tilespmem:s29+$0xFFFFFE00] =	vst v4;
	s29 =	smov.u32 s31  }
0xe6: {  	v4 =	vmul.f32 $8.000000000e+00, v6;
	v6 =	vld [tilespmem:s31+$0xFFFFFEB0];
	[tilespmem:s31+$0x1B0] =	vst v7  }
0xe7: {  	[tilespmem:s31+$0xFFFFFE10] =	vst v1;
	v1 =	vmul.f32 $8.000000000e+00, v2;
	v2 =	vld [tilespmem:s31+$0xFFFFFF00]  }
0xe8: {  	[tilespmem:s31+$0xFFFFFE20] =	vst v4;
	v3 =	vmul.f32 $8.000000000e+00, v3;
	v4 =	vld [tilespmem:s31+$0xFFFFFF10]  }
0xe9: {  	[tilespmem:s31+$0xFFFFFE30] =	vst v1;
	v0 =	vmul.f32 $8.000000000e+00, v0;
	v1 =	vld [tilespmem:s31+$0xFFFFFF20]  }
0xea: {  	[tilespmem:s31+$0xFFFFFE80] =	vst v3;
	v3 =	vmul.f32 $8.000000000e+00, v5;
	v5 =	vld [tilespmem:s31+$0xFFFFFF30]  }
0xeb: {  	[tilespmem:s31+$0xFFFFFE90] =	vst v0;
	v0 =	vmul.f32 $8.000000000e+00, v6;
	v6 =	vld [tilespmem:s31+$0xFFFFFF80]  }
0xec: {  	[tilespmem:s31+$0xFFFFFEA0] =	vst v3;
	v2 =	vmul.f32 $8.000000000e+00, v2;
	v3 =	vld [tilespmem:s31+$0xFFFFFF90]  }
0xed: {  	[tilespmem:s31+$0xFFFFFEB0] =	vst v0;
	v0 =	vmul.f32 $8.000000000e+00, v4;
	v4 =	vld [tilespmem:s31+$0xFFFFFFA0]  }
0xee: {  	[tilespmem:s31+$0xFFFFFF00] =	vst v2;
	v1 =	vmul.f32 $8.000000000e+00, v1;
	v2 =	vld [tilespmem:s31+$0xFFFFFFB0]  }
0xef: {  	[tilespmem:s31+$0xFFFFFF10] =	vst v0;
	v0 =	vmul.f32 $8.000000000e+00, v5;
	v5 =	vld [tilespmem:s31+$0x0]  }
0xf0: {  	[tilespmem:s31+$0xFFFFFF20] =	vst v1;
	v1 =	vmul.f32 $8.000000000e+00, v6;
	v6 =	vld [tilespmem:s31+$0x10]  }
0xf1: {  	[tilespmem:s31+$0xFFFFFF30] =	vst v0;
	v0 =	vmul.f32 $8.000000000e+00, v3;
	v3 =	vld [tilespmem:s31+$0x20]  }
0xf2: {  	[tilespmem:s31+$0xFFFFFF80] =	vst v1;
	v1 =	vmul.f32 $8.000000000e+00, v4;
	v4 =	vld [tilespmem:s31+$0x30]  }
0xf3: {  	[tilespmem:s31+$0xFFFFFF90] =	vst v0;
	v0 =	vmul.f32 $8.000000000e+00, v2;
	v2 =	vld [tilespmem:s31+$0x80]  }
0xf4: {  	[tilespmem:s31+$0xFFFFFFA0] =	vst v1;
	v1 =	vmul.f32 $8.000000000e+00, v5;
	v5 =	vld [tilespmem:s31+$0x90]  }
0xf5: {  	[tilespmem:s31+$0xFFFFFFB0] =	vst v0;
	v0 =	vmul.f32 $8.000000000e+00, v6;
	v6 =	vld [tilespmem:s31+$0xA0]  }
0xf6: {  	[tilespmem:s31+$0x0] =	vst v1;
	v1 =	vmul.f32 $8.000000000e+00, v3;
	v3 =	vld [tilespmem:s31+$0xB0]  }
0xf7: {  	[tilespmem:s31+$0x10] =	vst v0;
	v0 =	vmul.f32 $8.000000000e+00, v4;
	v4 =	vld [tilespmem:s31+$0x100]  }
0xf8: {  	[tilespmem:s31+$0x20] =	vst v1;
	v1 =	vmul.f32 $8.000000000e+00, v2;
	v7 =	vld [tilespmem:s31+$0x110]  }
0xf9: {  	[tilespmem:s31+$0x30] =	vst v0;
	v2 =	vmul.f32 $8.000000000e+00, v5;
	v8 =	vld [tilespmem:s31+$0x120]  }
.Ltmp2:
0xfa: {  	[tilespmem:s31+$0x80] =	vst v1;
	v5 =	vmul.f32 $8.000000000e+00, v6;
	v0 =	vld [tilespmem:s31+$0x130];
	(pc) =	sbr.rel @p1 .LBB2_7-.Ltmp2, $4  }
0xfb: {  	[tilespmem:s31+$0x90] =	vst v2;
	v3 =	vmul.f32 $8.000000000e+00, v3;
	v1 =	vld [tilespmem:s31+$0x180]  }
0xfc: {  	[tilespmem:s31+$0xA0] =	vst v5;
	v6 =	vmul.f32 $8.000000000e+00, v4;
	v2 =	vld [tilespmem:s31+$0x190]  }
0xfd: {  	[tilespmem:s31+$0xB0] =	vst v3;
	v5 =	vmul.f32 $8.000000000e+00, v7;
	v3 =	vld [tilespmem:s31+$0x1A0]  }
0xfe: {  	s31 =	sadd.s32 $0x400, s31;
	v4 =	vld [tilespmem:s29+$0xFFFFFE00];
	[tilespmem:s29+$0x100] =	vst v6;
	v6 =	vmul.f32 $8.000000000e+00, v8  }
0xff: {  	[tilespmem:s29+$0x110] =	vst v5;
	v0 =	vmul.f32 $8.000000000e+00, v0  }
0x100: {  	[tilespmem:s29+$0x120] =	vst v6;
	v1 =	vmul.f32 $8.000000000e+00, v1  }
0x101: {  	[tilespmem:s29+$0x130] =	vst v0;
	v0 =	vmul.f32 $8.000000000e+00, v2  }
0x102: {  	s25 =	sshll.u32 s25, $0xE;
	[tilespmem:s29+$0x180] =	vst v1;
	v1 =	vmul.f32 $8.000000000e+00, v3  }
0x103: {  	s25 =	sadd.s32 s6, s25;
	v2 =	vmul.f32 $8.000000000e+00, v4;
	[tilespmem:s29+$0x190] =	vst v0  }
0x104: {  	s25 =	sshrl.u32 s25, $0x3;
	[tilespmem:s29+$0x1A0] =	vst v1  }
0x105: {  	s25 =	sadd.s32 s4, s25;
	[tilespmem:s29+$0xFFFFFE00] =	vst v2  }
0x106: {  	[hbm4b:s25+s2] =	stream.linear.scatter [tilespmem:s13], [sflag:$0x7], $0x4000, $0x38;
	[tilespmem:$0x16400] =	vst v63  }
0x107: {  	s25 =	simm.s32 @!p0 $0x6  }
0x108: {  	_ =	swait.ge @!p0 [sflag:s25], $0x4000  }
0x109: {  	s29 =	simm.s32 @!p0 $0xA400;
	[sflag:s25] =	ssyncset.done @!p0 $0x0  }
0x10a: {  	[sflag:s25] =	ssyncadd.s32 @!p0 $0xFFFFC000;
	s25 =	sadd.s32 @!p0 $0x280, s28;
	s28 =	simm.s32 @!p0 $0x80  }
0x10b: {  	[tilespmem:s29], [sflag:$0x2] =	stream.indirect.gather @!p0 [hbm4b:s3+s28], $0x80, s25, s28, $0xb8;
	[tilespmem:$0x16400] =	vst v63  }
0x10c: {  	_ =	swait.ge [sflag:s18], $0x4000  }
0x10d: {  	[sflag:s18] =	ssyncset.done $0x0  }
0x10e: {  	s25 =	simm.s32 $0x12600;
	[sflag:s18] =	ssyncadd.s32 $0xFFFFC000  }
0x10f: {  	v0 =	vld [tilespmem:s25+$0x1B0]  }
0x110: {  	v1 =	vld [tilespmem:s25+$0xFFFFFE10]  }
0x111: {  	v2 =	vld [tilespmem:s25+$0xFFFFFE20]  }
0x112: {  	v3 =	vld [tilespmem:s25+$0xFFFFFE30]  }
0x113: {  	v4 =	vld [tilespmem:s25+$0xFFFFFE80]  }
0x114: {  	v5 =	vld [tilespmem:s25+$0xFFFFFE90];
	v0 =	vmul.f32 $8.000000000e+00, v0  }
0x115: {  	v6 =	vld [tilespmem:s25+$0xFFFFFEA0];
	v1 =	vmul.f32 $8.000000000e+00, v1  }
0x116: {  	v7 =	vld [tilespmem:s25+$0xFFFFFEB0];
	v2 =	vmul.f32 $8.000000000e+00, v2;
	[tilespmem:s25+$0x1B0] =	vst v0  }
0x117: {  	[tilespmem:s25+$0xFFFFFE10] =	vst v1;
	v0 =	vmul.f32 $8.000000000e+00, v3;
	v1 =	vld [tilespmem:s25+$0xFFFFFF00]  }
0x118: {  	[tilespmem:s25+$0xFFFFFE20] =	vst v2;
	v2 =	vmul.f32 $8.000000000e+00, v4;
	v3 =	vld [tilespmem:s25+$0xFFFFFF10]  }
0x119: {  	v4 =	vld [tilespmem:s25+$0xFFFFFF20];
	[tilespmem:s25+$0xFFFFFE30] =	vst v0;
	v0 =	vmul.f32 $8.000000000e+00, v5  }
0x11a: {  	[tilespmem:s25+$0xFFFFFE80] =	vst v2;
	v2 =	vmul.f32 $8.000000000e+00, v6;
	v5 =	vld [tilespmem:s25+$0xFFFFFF30]  }
0x11b: {  	v6 =	vld [tilespmem:s25+$0xFFFFFF80];
	[tilespmem:s25+$0xFFFFFE90] =	vst v0;
	v0 =	vmul.f32 $8.000000000e+00, v7  }
0x11c: {  	[tilespmem:s25+$0xFFFFFEA0] =	vst v2;
	v2 =	vld [tilespmem:s25+$0xFFFFFF90];
	v1 =	vmul.f32 $8.000000000e+00, v1  }
0x11d: {  	[tilespmem:s25+$0xFFFFFEB0] =	vst v0;
	v0 =	vmul.f32 $8.000000000e+00, v3;
	v3 =	vld [tilespmem:s25+$0xFFFFFFA0]  }
0x11e: {  	[tilespmem:s25+$0xFFFFFF00] =	vst v1;
	v1 =	vmul.f32 $8.000000000e+00, v4;
	v4 =	vld [tilespmem:s25+$0xFFFFFFB0]  }
0x11f: {  	[tilespmem:s25+$0xFFFFFF10] =	vst v0;
	v0 =	vmul.f32 $8.000000000e+00, v5;
	v5 =	vld [tilespmem:s25+$0x0]  }
0x120: {  	[tilespmem:s25+$0xFFFFFF20] =	vst v1;
	v1 =	vmul.f32 $8.000000000e+00, v6;
	v6 =	vld [tilespmem:s25+$0x10]  }
0x121: {  	[tilespmem:s25+$0xFFFFFF30] =	vst v0;
	v0 =	vmul.f32 $8.000000000e+00, v2;
	v2 =	vld [tilespmem:s25+$0x20]  }
0x122: {  	[tilespmem:s25+$0xFFFFFF80] =	vst v1;
	v1 =	vmul.f32 $8.000000000e+00, v3;
	v3 =	vld [tilespmem:s25+$0x30]  }
0x123: {  	[tilespmem:s25+$0xFFFFFF90] =	vst v0;
	v0 =	vmul.f32 $8.000000000e+00, v4;
	v4 =	vld [tilespmem:s25+$0x80]  }
0x124: {  	[tilespmem:s25+$0xFFFFFFA0] =	vst v1;
	v1 =	vmul.f32 $8.000000000e+00, v5;
	v5 =	vld [tilespmem:s25+$0x90]  }
0x125: {  	[tilespmem:s25+$0xFFFFFFB0] =	vst v0;
	v0 =	vmul.f32 $8.000000000e+00, v6;
	v6 =	vld [tilespmem:s25+$0xA0]  }
0x126: {  	[tilespmem:s25+$0x0] =	vst v1;
	v1 =	vmul.f32 $8.000000000e+00, v2;
	v2 =	vld [tilespmem:s25+$0xB0]  }
0x127: {  	[tilespmem:s25+$0x10] =	vst v0;
	v0 =	vmul.f32 $8.000000000e+00, v3;
	v3 =	vld [tilespmem:s25+$0x100]  }
0x128: {  	[tilespmem:s25+$0x20] =	vst v1;
	v1 =	vmul.f32 $8.000000000e+00, v4;
	v4 =	vld [tilespmem:s25+$0x110]  }
0x129: {  	v7 =	vld [tilespmem:s25+$0x120];
	[tilespmem:s25+$0x30] =	vst v0;
	v5 =	vmul.f32 $8.000000000e+00, v5  }
0x12a: {  	v0 =	vld [tilespmem:s25+$0x130];
	[tilespmem:s25+$0x80] =	vst v1;
	v6 =	vmul.f32 $8.000000000e+00, v6  }
0x12b: {  	v1 =	vld [tilespmem:s25+$0x180];
	[tilespmem:s25+$0x90] =	vst v5;
	v5 =	vmul.f32 $8.000000000e+00, v2  }
0x12c: {  	v2 =	vld [tilespmem:s25+$0x190];
	[tilespmem:s25+$0xA0] =	vst v6;
	v6 =	vmul.f32 $8.000000000e+00, v3  }
0x12d: {  	v3 =	vld [tilespmem:s25+$0x1A0];
	[tilespmem:s25+$0xB0] =	vst v5;
	v5 =	vmul.f32 $8.000000000e+00, v4  }
0x12e: {  	s28 =	simm.s32 $0x0;
	s29 =	simm.s32 $0x12A00;
	v4 =	vld [tilespmem:s25+$0xFFFFFE00];
	[tilespmem:s25+$0x100] =	vst v6;
	v6 =	vmul.f32 $8.000000000e+00, v7  }
.LBB2_9:
0x12f: {  	v7 =	vld [tilespmem:s29+$0x1B0];
	s28 =	sadd.s32 $0x8, s28;
	[tilespmem:s25+$0x110] =	vst v5;
	v0 =	vmul.f32 $8.000000000e+00, v0  }
0x130: {  	v5 =	vld [tilespmem:s29+$0xFFFFFE10];
	p0 =	slt.u32 s28, $0x78;
	[tilespmem:s25+$0x120] =	vst v6;
	v1 =	vmul.f32 $8.000000000e+00, v1  }
0x131: {  	v6 =	vld [tilespmem:s29+$0xFFFFFE20];
	[tilespmem:s25+$0x130] =	vst v0;
	v0 =	vmul.f32 $8.000000000e+00, v2  }
0x132: {  	v2 =	vld [tilespmem:s29+$0xFFFFFE30];
	[tilespmem:s25+$0x180] =	vst v1;
	v1 =	vmul.f32 $8.000000000e+00, v3  }
0x133: {  	v3 =	vld [tilespmem:s29+$0xFFFFFE80];
	v4 =	vmul.f32 $8.000000000e+00, v4;
	[tilespmem:s25+$0x190] =	vst v0  }
0x134: {  	v0 =	vld [tilespmem:s29+$0xFFFFFE90];
	v7 =	vmul.f32 $8.000000000e+00, v7;
	[tilespmem:s25+$0x1A0] =	vst v1  }
0x135: {  	v1 =	vmul.f32 $8.000000000e+00, v5;
	v5 =	vld [tilespmem:s29+$0xFFFFFEA0];
	[tilespmem:s25+$0xFFFFFE00] =	vst v4;
	s25 =	smov.u32 s29  }
0x136: {  	v4 =	vmul.f32 $8.000000000e+00, v6;
	v6 =	vld [tilespmem:s29+$0xFFFFFEB0];
	[tilespmem:s29+$0x1B0] =	vst v7  }
0x137: {  	[tilespmem:s29+$0xFFFFFE10] =	vst v1;
	v1 =	vmul.f32 $8.000000000e+00, v2;
	v2 =	vld [tilespmem:s29+$0xFFFFFF00]  }
0x138: {  	[tilespmem:s29+$0xFFFFFE20] =	vst v4;
	v3 =	vmul.f32 $8.000000000e+00, v3;
	v4 =	vld [tilespmem:s29+$0xFFFFFF10]  }
0x139: {  	[tilespmem:s29+$0xFFFFFE30] =	vst v1;
	v0 =	vmul.f32 $8.000000000e+00, v0;
	v1 =	vld [tilespmem:s29+$0xFFFFFF20]  }
0x13a: {  	[tilespmem:s29+$0xFFFFFE80] =	vst v3;
	v3 =	vmul.f32 $8.000000000e+00, v5;
	v5 =	vld [tilespmem:s29+$0xFFFFFF30]  }
0x13b: {  	[tilespmem:s29+$0xFFFFFE90] =	vst v0;
	v0 =	vmul.f32 $8.000000000e+00, v6;
	v6 =	vld [tilespmem:s29+$0xFFFFFF80]  }
0x13c: {  	[tilespmem:s29+$0xFFFFFEA0] =	vst v3;
	v2 =	vmul.f32 $8.000000000e+00, v2;
	v3 =	vld [tilespmem:s29+$0xFFFFFF90]  }
0x13d: {  	[tilespmem:s29+$0xFFFFFEB0] =	vst v0;
	v0 =	vmul.f32 $8.000000000e+00, v4;
	v4 =	vld [tilespmem:s29+$0xFFFFFFA0]  }
0x13e: {  	[tilespmem:s29+$0xFFFFFF00] =	vst v2;
	v1 =	vmul.f32 $8.000000000e+00, v1;
	v2 =	vld [tilespmem:s29+$0xFFFFFFB0]  }
0x13f: {  	[tilespmem:s29+$0xFFFFFF10] =	vst v0;
	v0 =	vmul.f32 $8.000000000e+00, v5;
	v5 =	vld [tilespmem:s29+$0x0]  }
0x140: {  	[tilespmem:s29+$0xFFFFFF20] =	vst v1;
	v1 =	vmul.f32 $8.000000000e+00, v6;
	v6 =	vld [tilespmem:s29+$0x10]  }
0x141: {  	[tilespmem:s29+$0xFFFFFF30] =	vst v0;
	v0 =	vmul.f32 $8.000000000e+00, v3;
	v3 =	vld [tilespmem:s29+$0x20]  }
0x142: {  	[tilespmem:s29+$0xFFFFFF80] =	vst v1;
	v1 =	vmul.f32 $8.000000000e+00, v4;
	v4 =	vld [tilespmem:s29+$0x30]  }
0x143: {  	[tilespmem:s29+$0xFFFFFF90] =	vst v0;
	v0 =	vmul.f32 $8.000000000e+00, v2;
	v2 =	vld [tilespmem:s29+$0x80]  }
0x144: {  	[tilespmem:s29+$0xFFFFFFA0] =	vst v1;
	v1 =	vmul.f32 $8.000000000e+00, v5;
	v5 =	vld [tilespmem:s29+$0x90]  }
0x145: {  	[tilespmem:s29+$0xFFFFFFB0] =	vst v0;
	v0 =	vmul.f32 $8.000000000e+00, v6;
	v6 =	vld [tilespmem:s29+$0xA0]  }
0x146: {  	[tilespmem:s29+$0x0] =	vst v1;
	v1 =	vmul.f32 $8.000000000e+00, v3;
	v3 =	vld [tilespmem:s29+$0xB0]  }
0x147: {  	[tilespmem:s29+$0x10] =	vst v0;
	v0 =	vmul.f32 $8.000000000e+00, v4;
	v4 =	vld [tilespmem:s29+$0x100]  }
0x148: {  	[tilespmem:s29+$0x20] =	vst v1;
	v1 =	vmul.f32 $8.000000000e+00, v2;
	v7 =	vld [tilespmem:s29+$0x110]  }
0x149: {  	[tilespmem:s29+$0x30] =	vst v0;
	v2 =	vmul.f32 $8.000000000e+00, v5;
	v8 =	vld [tilespmem:s29+$0x120]  }
.Ltmp3:
0x14a: {  	[tilespmem:s29+$0x80] =	vst v1;
	v5 =	vmul.f32 $8.000000000e+00, v6;
	v0 =	vld [tilespmem:s29+$0x130];
	(pc) =	sbr.rel @p0 .LBB2_9-.Ltmp3, $4  }
0x14b: {  	[tilespmem:s29+$0x90] =	vst v2;
	v3 =	vmul.f32 $8.000000000e+00, v3;
	v1 =	vld [tilespmem:s29+$0x180]  }
0x14c: {  	[tilespmem:s29+$0xA0] =	vst v5;
	v6 =	vmul.f32 $8.000000000e+00, v4;
	v2 =	vld [tilespmem:s29+$0x190]  }
0x14d: {  	[tilespmem:s29+$0xB0] =	vst v3;
	v5 =	vmul.f32 $8.000000000e+00, v7;
	v3 =	vld [tilespmem:s29+$0x1A0]  }
0x14e: {  	s29 =	sadd.s32 $0x400, s29;
	v4 =	vld [tilespmem:s25+$0xFFFFFE00];
	[tilespmem:s25+$0x100] =	vst v6;
	v6 =	vmul.f32 $8.000000000e+00, v8  }
0x14f: {  	[tilespmem:s25+$0x110] =	vst v5;
	v0 =	vmul.f32 $8.000000000e+00, v0  }
0x150: {  	s24 =	sadd.s32 $0x1, s24;
	[tilespmem:s25+$0x120] =	vst v6;
	v1 =	vmul.f32 $8.000000000e+00, v1  }
0x151: {  	p0 =	sne.s32 s24, $0x32;
	[tilespmem:s25+$0x130] =	vst v0;
	v61 =	vmul.f32 $8.000000000e+00, v2  }
.Ltmp4:
0x152: {  	s26 =	sshll.u32 s26, $0xE;
	[tilespmem:s25+$0x180] =	vst v1;
	v62 =	vmul.f32 $8.000000000e+00, v3;
	(pc) =	sbr.rel @p0 .LBB2_2-.Ltmp4, $4  }
0x153: {  	s26 =	sadd.s32 s6, s26;
	v63 =	vmul.f32 $8.000000000e+00, v4;
	[tilespmem:s25+$0x190] =	vst v61  }
0x154: {  	s26 =	sshrl.u32 s26, $0x3;
	[tilespmem:s25+$0x1A0] =	vst v62  }
0x155: {  	s31 =	sadd.s32 s4, s26;
	[tilespmem:s25+$0xFFFFFE00] =	vst v63  }
0x156: {  	[hbm4b:s31+s2] =	stream.linear.scatter [tilespmem:s15], [sflag:$0x8], $0x4000, $0x38;
	[tilespmem:$0x16400] =	vst v63  }
0x157: {  	_ =	swait.ge [sflag:s19], $0x4000  }
0x158: {  	[sflag:s19] =	ssyncset.done $0x0  }
0x159: {  	[sflag:s19] =	ssyncadd.s32 $0xFFFFC000  }
0x15a: {  	_ =	swait.ge [sflag:s20], $0x4000  }
0x15b: {  	[sflag:s20] =	ssyncset.done $0x0  }
0x15c: {  	s23 =	sadd.s32 $0x1, s23;
	[sflag:s20] =	ssyncadd.s32 $0xFFFFC000  }
0x15d: {  	p0 =	sne.s32 s23, s7;
	_ =	swait.ge [sflag:s21], $0x4000  }
.Ltmp5:
0x15e: {  	[sflag:s21] =	ssyncset.done $0x0;
	(pc) =	sbr.rel @p0 .LBB2_1-.Ltmp5, $4  }
0x15f: {  	[sflag:s21] =	ssyncadd.s32 $0xFFFFC000  }
0x160: {  	_ =	swait.ge [sflag:s22], $0x4000  }
0x161: {  	[sflag:s22] =	ssyncset.done $0x0  }
0x162: {  	[sflag:s22] =	ssyncadd.s32 $0xFFFFC000  }
0x163: {  	_ =	sfence.sel $0x180000  }
0x164: {  	[bflag:$0x0] =	sbarrier.arrive $0xFFFF  }
0x165: {  	p0 =	sne.s32 s0, $0x0;
	_ =	strace $0x90000047  }
0x166: {  	s0 =	sadd.s32 @!p0 $0x100000, s1;
	[bflag:$0x2] =	sbarrier.arrive $0xFFFF  }
0x167: {  	[sflag:s0] =	ssyncadd.tile.s32 @!p0 $0x1;
	_ =	shalt  }
.Lfunc_end2:
_tile_overlayer_lowered:
.L_overlay_start_2:
0x168: {  	(tag) =	ssettag $0x2  }
0x169: {  	s0 =	rddreg [dreg:$0x0];
	s2 =	stileid.u32  }
0x16a: {  	s1 =	rddreg [dreg:$0x1];
	p0 =	sne.s32 s2, $0x0  }
0x16b: {  	s3 =	rddreg [dreg:$0x2];
	[bflag:$0x3] =	sbarrier.arrive $0xFFFF;
	s2 =	simm.s32 @!p0 $0x1C09  }
0x16c: {  	[timem:s3], [sflag:s2] =	dma.local @!p0 [hbm:s0], s1  }
0x16d: {  	s0 =	simm.s32 @!p0 $0x9  }
0x16e: {  	_ =	swait.ge @!p0 [sflag:s0], s1  }
0x16f: {  	s1 =	ssub.s32 @!p0 $0x0, s1;
	[sflag:s0] =	ssyncset.done @!p0 $0x0  }
0x170: {  	[sflag:s0] =	ssyncadd.s32 @!p0 s1  }
0x171: {  	[bflag:$0x3] =	sbarrier.arrive $0xFFFF  }
0x172: {  	_ =	shalt  }

// kernel: sparse-core-data-format-call.cloned.1.call-start
scs
called_computation_lowered:
.L_overlay_start_0:
0x0: {  	s2 =	sld [smem:$0x3FD9]  }
0x1: {  	s3 =	sld [smem:$0x3FFE];
	_ =	sdelay $0x1  }
0x2: {  	s1 =	srdreg.scid  }
0x3: {  	s0 =	sand.u32 $0x1, s1  }
0x4: {  	s18 =	sshll.u32 s0, $0xA;
	s2 =	sadd.s32 s3, s2  }
0x5: {  	s2 =	sadd.s32 s2, s18  }
0x6: {  	[smem:$0x3FC6] =	sst s2  }
0x7: {  	_ = 	snop  }
0x8: {  	s2 =	sld [smem:$0x3FD0];
	(tm) =	ssettm $0x1  }
0x9: {  	s19 =	sld [smem:$0x3FFB];
	_ =	sdelay $0x3  }
0xa: {  	_ =	strace s19  }
0xb: {  	s3 =	sld [smem:$0x3FFC];
	_ =	sdelay $0x3  }
0xc: {  	_ =	strace s3  }
0xd: {  	s3 =	sld [smem:$0x3FFD];
	_ =	sdelay $0x3  }
0xe: {  	_ =	strace s3  }
0xf: {  	_ =	strace $0x8FFFFFFF  }
0x10: {  	s20 =	sld [smem:$0x3FDB];
	_ =	sdelay $0x1  }
0x11: {  	s4 =	simm.s32 $_scs_section_size  }
0x12: {  	s5 =	simm.s32 $_size__tile_overlayer_lowered;
	s6 =	simm.s32 $_tile_overlayer_lowered  }
0x13: {  	s23 =	simm.s32 $0x1BFF;
	s22 =	sshll.u32 s6, $0x1;
	s3 =	sadd.s32 s4, s20  }
0x14: {  	s7 =	simm.s32 $0x0;
	s21 =	sshll.u32 s5, $0x1;
	s5 =	sadd.s32 s22, s3  }
0x15: {  	[timem:s7], [sflag:s23] =	dma.local [hbm:s5], s21  }
0x16: {  	_ =	swait.ge [sflag:s23], s21  }
0x17: {  	s4 =	ssub.s32 $0x0, s21;
	[sflag:s23] =	ssyncset.done $0x0  }
0x18: {  	[sflag:s23] =	ssyncadd.s32 s4;
	_ =	sdelay $0x1  }
0x19: {  	s24 =	simm.s32 $0x1B8B  }
0x1a: {  	_ =	swait.ge [sflag:s24], $0x1  }
0x1b: {  	[sflag:s24] =	ssyncset.done $0x0  }
0x1c: {  	s26 =	simm.s32 $0x1B8E;
	s25 =	sld [smem:$0x3FFE];
	[sflag:s24] =	ssyncadd.s32 $0xFFFFFFFF  }
0x1d: {  	s27 =	simm.s32 $execute0_lowered;
	[smem:$0x3FD2] =	sst s26  }
0x1e: {  	s5 =	sshll.u32 s27, $0x1;
	_ =	strace $0x80000049;
	[dreg:$0x1] =	wrdreg $0xFFFFFFFF  }
0x1f: {  	s28 =	simm.s32 $_size_execute0_lowered;
	s3 =	sadd.s32 s3, s5;
	[dreg:$0x0] =	wrdreg $0x0  }
0x20: {  	s5 =	sshll.u32 s28, $0x1;
	[dreg:$0x2] =	wrdreg s3  }
0x21: {  	[dreg:$0x3] =	wrdreg s5  }
0x22: {  	[dreg:$0x4] =	wrdreg $0xC0  }
0x23: {  	_ =	task [dreg:s7], $0x5FFFF  }
0x24: {  	[dreg:$0x1] =	wrdreg $0xFFFFFFFF  }
0x25: {  	[dreg:$0x0] =	wrdreg $0x60  }
0x26: {  	[dreg:$0x2] =	wrdreg s25  }
0x27: {  	[dreg:$0x3] =	wrdreg s2  }
0x28: {  	[dreg:$0x4] =	wrdreg $0x9  }
0x29: {  	_ =	task.clear_ibuf [dreg:s7], $0x5FFFF;
	_ =	strace $0x90000049  }
0x2a: {  	s29 =	simm.s32 $0x9;
	_ =	strace $0x8000004B  }
0x2b: {  	_ =	swait.ge [sflag:s29], $0x1  }
0x2c: {  	[sflag:s29] =	ssyncadd.s32 $0xFFFFFFFF  }
0x2d: {  	_ =	strace $0x9000004B  }
0x2e: {  	_ =	sfence  }
0x2f: {  	s30 =	sld [smem:$0x0];
	_ =	sdelay $0x2  }
0x30: {  	s31 =	sshll.u32 s1, $0xD;
	s1 =	sshrl.u32 s1, $0x2  }
0x31: {  	s3 =	sand.u32 $0x4000, s31;
	s1 =	sadd.s32 s1, s30  }
0x32: {  	s0 =	sor.u32 s3, s0;
	s1 =	sshll.u32 s1, $0x11  }
0x33: {  	s0 =	sor.u32 s1, s0  }
0x34: {  	s0 =	sadd.s32 $0x8F2B, s0  }
0x35: {  	[sflag:s0] =	ssyncadd.remote.s32 $0x1  }
0x36: {  	_ =	sfence.sel $0xFFFF  }
0x37: {  	[dreg:$0x0] =	wrdreg $0xFFFFFFFF;
	(pc) =	sbr.abs _section_cstart, $3  }
0x38: {  	[dreg:$0x1] =	wrdreg $0xFFFFFFFF  }
0x39: {  	_ =	task.clear_ibuf [dreg:s7], $0x2FFFF;
	_ =	strace $0x9FFFFFFF  }
0x3a: {  	(tm) =	ssettm $0x7FFFFFFF  }
0x3b: {  	_ =	shalt  }
tec
execute0_lowered:
.L_overlay_start_1:
0x0: {  	(tag) =	ssettag $0x1  }
0x1: {  	s0 =	srdreg.scid  }
0x2: {  	s1 =	sshll.u32 s0, $0x4  }
0x3: {  	s0 =	stileid.u32;
	s1 =	sand.u32 $0x10, s1  }
0x4: {  	s1 =	sor.u32 s0, s1  }
0x5: {  	s6 =	rddreg [dreg:$0x0];
	s4 =	simm.s32 $0x1;
	s2 =	sshll.u32 s1, $0x7  }
0x6: {  	s7 =	simm.s32 $0x2;
	s12 =	simm.s32 $0x0;
	s1 =	ssub.s32 $0x1000, s2  }
0x7: {  	s8 =	simm.s32 $0x8000;
	s13 =	simm.s32 $0x0;
	s3 =	sand.u32 $0xF80, s1  }
0x8: {  	s9 =	simm.s32 $0x0;
	s5 =	sshrl.u32 s1, $0xC;
	p0 =	sne.s32 s3, $0x0  }
.Ltmp0:
0x9: {  	s1 =	rddreg [dreg:$0x2];
	s4 =	simm.s32 @!p0 $0x0;
	(pc) =	sbr.rel .LBB1_1-.Ltmp0, $4  }
0xa: {  	s11 =	simm.s32 $0x0;
	s3 =	rddreg [dreg:$0x1];
	s5 =	sadd.s32 s4, s5  }
0xb: {  	_ =	strace $0x8000004A;
	s4 =	simm.s32 $0x1;
	s5 =	smul.u32 $0xC8, s5  }
0xc: {  	s6 =	sadd.s32 $0xA00, s6;
	s10 =	smov.u32 s2;
	[sflag:s4] =	ssyncpa.u1 $0x0  }
0xd: {  	p0 =	por $0x0, $0x0;
	[sflag:s7] =	ssyncpa.u1 $0x0;
	s7 =	sor.u32 $0x1, s5  }
.LBB1_4:
0xe: {  	s16 =	sshll.u32 s13, $0x3;
	s17 =	sand.u32 $0x78, s13  }
0xf: {  	s30 =	sand.u32 $0x7E00, s13;
	s12 =	sshll.u32 s12, $0xF;
	s16 =	sand.u32 $0xC00, s16  }
0x10: {  	[tilespmem:s15+$0x810 ss:$0x81] =	vst.msk $0xffff, v2;
	s31 =	sand.u32 $0x7, s13;
	s16 =	sor.u32 s17, s16;
	s17 =	sadd.s32 s3, s30  }
0x11: {  	[tilespmem:s15+$0x1020 ss:$0x81] =	vst.msk $0xffff, v0;
	s13 =	sshll.u32 s31, $0x12;
	s12 =	sadd.s32 s12, s17;
	s16 =	sshrl.u32 s16, $0x3  }
0x12: {  	[tilespmem:s15+$0x0 ss:$0x81] =	vst.msk $0xffff, v1;
	s13 =	sor.u32 $0x400, s13;
	s12 =	sadd.s32 s16, s12  }
0x13: {  	[hbm4b:s12+s13] =	stream.strided.scatter [tilespmem:s14], [sflag:$0x2], $0x2000, s8, s13, $0x20;
	[tilespmem:$0x8080] =	vst v63  }
.LBB1_5:
0x14: {  	s14 =	sadd.s32 $0x1, s9  }
0x15: {  	s12 =	sadd.s32 $0x1000, s10;
	s16 =	smov.u32 s10;
	p2 =	sgt.s32 s14, $0xC7  }
0x16: {  	s16 =	smov.u32 @p2 s12  }
0x17: {  	s14 =	simm.s32 @p2 $0x0;
	p2 =	sgt.s32 s16, $0xFFF  }
0x18: {  	s16 =	smov.u32 @p2 s2;
	p2 =	sne.s32 s11, s7  }
.Ltmp1:
0x19: {  	p1 =	slt.u32 s11, $0x2;
	(pc) =	sbr.rel @!p2 .LBB1_6-.Ltmp1, $4  }
0x1a: {  	s15 =	simm.s32 @!p1 $0x2  }
0x1b: {  	s13 =	smov.u32 s10;
	p0 =	por !p0, !p0;
	_ =	swait.ge @!p1 [sflag:s15], $0x2000  }
0x1c: {  	s12 =	smov.u32 s9;
	[sflag:s15] =	ssyncset.done @!p1 $0x0;
	s9 =	smov.u32 s14  }
0x1d: {  	s11 =	sadd.s32 $0x1, s11;
	[sflag:s15] =	ssyncadd.s32 @!p1 $0xFFFFE000;
	s10 =	smov.u32 s16  }
.LBB1_1:
0x1e: {  	p1 =	sge.u32 s11, s5  }
0x1f: {  	s14 =	sand.u32 @!p1 $0x1FFFFFF, s9  }
0x20: {  	s15 =	smulhi.u32 @!p1 $0x147AE15, s14;
	_ =	sdelay $0x1  }
0x21: {  	s15 =	smul.u32 @!p1 $0xC8, s15  }
0x22: {  	s16 =	sxor.u32 @!p1 $0xFFFFFFFF, s11;
	s17 =	smul.u32 @!p1 $0xC80, s10  }
0x23: {  	s31 =	sadd.s32 $0xFFFFFFFF, s11;
	s16 =	sshll.u32 @!p1 s16, $0xD;
	s14 =	ssub.s32 @!p1 s14, s15  }
0x24: {  	s15 =	sand.u32 @!p1 $0x2000, s16;
	s16 =	sadd.s32 @!p1 s6, s17;
	s14 =	sshll.u32 @!p1 s14, $0x4  }
0x25: {  	s17 =	simm.s32 @!p1 $0x6400;
	s14 =	sadd.s32 @!p1 s14, s16;
	s16 =	simm.s32 @!p1 $0x40  }
0x26: {  	[tilespmem:s15], [sflag:$0x1] =	stream.strided.gather @!p1 [hbm4b:s14+s16], $0x2000, s17, s16, $0x38;
	[tilespmem:$0x8080] =	vst v63  }
0x27: {  	p1 =	sge.u32 s31, s5  }
.Ltmp2:
0x28: {  	_ = 	snop;
	(pc) =	sbr.rel @p1 .LBB1_5-.Ltmp2, $1  }
0x29: {  	_ =	sdelay $0x3  }
0x2a: {  	s14 =	simm.s32 $0x1  }
0x2b: {  	_ =	swait.ge [sflag:s4], $0x2000;
	s14 =	simm.s32 @!p0 $0x0  }
0x2c: {  	[sflag:s4] =	ssyncset.done $0x0;
	s15 =	sshll.u32 s14, $0xD  }
0x2d: {  	[sflag:s4] =	ssyncadd.s32 $0xFFFFE000;
	s18 =	sor.u32 $0x20, s15  }
0x2e: {  	s14 =	smul.u32 $0x8100, s14;
	v3 =	vld [tilespmem:s18+$0x10]  }
0x2f: {  	s30 =	sand.u32 $0x1, s11;
	v2 =	vld [tilespmem:s18+$0xFFFFFFF0]  }
0x30: {  	s15 =	smul.u32 $0x8100, s30;
	s14 =	sshrl.u32 s14, $0x2;
	v0 =	vld [tilespmem:s18+$0x0]  }
0x31: {  	v1 =	vld [tilespmem:s18+$0xFFFFFFE0];
	s16 =	sor.u32 $0x4000, s14  }
0x32: {  	s31 =	sshrl.u32 s15, $0x2;
	s15 =	sadd.s32 $0x0, s16  }
0x33: {  	s17 =	simm.s32 $0x4;
	s18 =	sadd.s32 $0x40, s18;
	s14 =	sor.u32 $0x4000, s31;
	[tilespmem:s15+$0x1830 ss:$0x81] =	vst.msk $0xffff, v3  }
.LBB1_3:
0x34: {  	v3 =	vld [tilespmem:s18+$0x10];
	p1 =	sne.s32 s17, $0x1FC;
	[tilespmem:s15+$0x810 ss:$0x81] =	vst.msk $0xffff, v2;
	s19 =	smov.u32 s17;
	s17 =	sadd.s32 $0x4, s17  }
.Ltmp3:
0x35: {  	v2 =	vld [tilespmem:s18+$0xFFFFFFF0];
	[tilespmem:s15+$0x1020 ss:$0x81] =	vst.msk $0xffff, v0;
	(pc) =	sbr.rel @p1 .LBB1_3-.Ltmp3, $4  }
0x36: {  	v0 =	vld [tilespmem:s18+$0x0];
	[tilespmem:s15+$0x0 ss:$0x81] =	vst.msk $0xffff, v1  }
0x37: {  	s15 =	sshra.s32 s19, $0x2;
	v1 =	vld [tilespmem:s18+$0xFFFFFFE0]  }
0x38: {  	s15 =	sadd.s32 s15, s16  }
0x39: {  	s18 =	sadd.s32 $0x40, s18;
	[tilespmem:s15+$0x1830 ss:$0x81] =	vst.msk $0xffff, v3  }
.Ltmp4:
0x3a: {  	_ = 	snop;
	(pc) =	sbr.rel .LBB1_4-.Ltmp4, $1  }
0x3b: {  	_ =	sdelay $0x3  }
.LBB1_6:
0x3c: {  	_ =	sfence.sel $0x180000  }
0x3d: {  	s2 =	simm.s32 $0x1;
	[bflag:$0x0] =	sbarrier.arrive $0xFFFF  }
0x3e: {  	s31 =	simm.s32 $0x2;
	[sflag:s2] =	ssyncpa.u1 $0x1  }
0x3f: {  	[sflag:s31] =	ssyncpa.u1 $0x1  }
0x40: {  	p0 =	sne.s32 s0, $0x0;
	_ =	strace $0x9000004A  }
0x41: {  	s0 =	sadd.s32 @!p0 $0x100000, s1;
	[bflag:$0x2] =	sbarrier.arrive $0xFFFF  }
0x42: {  	[sflag:s0] =	ssyncadd.tile.s32 @!p0 $0x1;
	_ =	shalt  }
.Lfunc_end1:
_tile_overlayer_lowered:
.L_overlay_start_2:
0x43: {  	(tag) =	ssettag $0x2  }
0x44: {  	s0 =	rddreg [dreg:$0x0];
	s2 =	stileid.u32  }
0x45: {  	s1 =	rddreg [dreg:$0x1];
	p0 =	sne.s32 s2, $0x0  }
0x46: {  	s3 =	rddreg [dreg:$0x2];
	[bflag:$0x3] =	sbarrier.arrive $0xFFFF;
	s2 =	simm.s32 @!p0 $0x1C01  }
0x47: {  	[timem:s3], [sflag:s2] =	dma.local @!p0 [hbm:s0], s1  }
0x48: {  	s0 =	simm.s32 @!p0 $0x1  }
0x49: {  	_ =	swait.ge @!p0 [sflag:s0], s1  }
0x4a: {  	s1 =	ssub.s32 @!p0 $0x0, s1;
	[sflag:s0] =	ssyncset.done @!p0 $0x0  }
0x4b: {  	[sflag:s0] =	ssyncadd.s32 @!p0 s1  }
0x4c: {  	[bflag:$0x3] =	sbarrier.arrive $0xFFFF  }
0x4d: {  	_ =	shalt  }

</sc_bundles>
